<compile_context>
chip_gen: v7x
topology: tpu7x:2x2x1
jax: 0.10.2.dev20260603
libtpu: 0.0.44.dev20260713+nightly
codegen_flags: <defaults>
</compile_context>

<pallas_src>
import jax
import jax.numpy as jnp
from jax import lax
from jax.experimental import pallas as pl
from jax.experimental.pallas import tpu as pltpu
from jax.experimental.pallas import tpu_sc as plsc

B, A = 32, 64
N_SPECIES = 20
D = 64
K = 16
WIDTH = 0.5
RC = 5.0
UPDATE = 0.5
NCONV = 3
DECAY = 0.5
NS_PAD = 32


def _pair_kernel(f0_ref, pos_ref, post_ref, cw1_ref, cb1_ref,
                 cw2_ref, cb2_ref, pw1_ref, pb1_ref, pw2_ref,
                 ew1_ref, eb1_ref, ew2_ref, bias2_ref,
                 ciso_ref, cani_ref):
    f32 = jnp.float32
    L = 2 * D

    f = jnp.concatenate([f0_ref[0, :, :D], f0_ref[1, :, :D]], axis=1)

    P0 = pos_ref[0]
    P1 = pos_ref[1]
    PT01 = post_ref[...].reshape(2 * 8, A)
    lane3 = lax.broadcasted_iota(jnp.int32, (A, L), 1)
    half = lane3 < A
    r2 = jnp.zeros((A, L), f32)
    for c in range(3):
        pc = jnp.where(half, P0[:, c:c + 1], P1[:, c:c + 1])
        ptc = jnp.concatenate([PT01[c:c + 1, :], PT01[8 + c:9 + c, :]],
                              axis=1)
        dd = pc - ptc
        r2 = r2 + dd * dd
    r01 = jnp.sqrt(r2 + 1e-9)

    R0 = r01[:, :A, None]
    R1 = r01[:, A:, None]
    ieqj = (lax.broadcasted_iota(jnp.int32, (A, A, 1), 0)
            == lax.broadcasted_iota(jnp.int32, (A, A, 1), 1))

    kin = lax.broadcasted_iota(jnp.int32, (A, A, 2 * K), 2)
    centers = (kin % K).astype(f32) * (5.0 / (K - 1))
    Rg = jnp.where(kin < K, jnp.broadcast_to(R0, (A, A, 2 * K)),
                   jnp.broadcast_to(R1, (A, A, 2 * K)))
    dg = Rg - centers
    g = jnp.exp(dg * dg * (-1.0 / (2.0 * WIDTH * WIDTH)))
    g = jnp.where(ieqj, 0.0, g)
    h = jnp.tanh(jnp.dot(g.reshape(A * A, 2 * K), cw1_ref[...],
                         preferred_element_type=f32) + cb1_ref[...])
    filt = (jnp.dot(h, cw2_ref[...], preferred_element_type=f32)
            + cb2_ref[...])
    filt3 = filt.reshape(A, A, L)

    for it in range(NCONV):
        fj = jnp.broadcast_to(f[None, :, :], (A, A, L))
        m = jnp.sum(filt3 * fj, axis=1)
        f = (1.0 - UPDATE) * f + (UPDATE * DECAY ** it) * jnp.tanh(m)

    ph = jnp.tanh(jnp.dot(f, pw1_ref[...], preferred_element_type=f32)
                  + pb1_ref[...])
    pa = (jnp.dot(ph, pw2_ref[...], preferred_element_type=f32)
          + bias2_ref[0, 0])
    ciso_ref[0] = jnp.sum(pa, axis=0, keepdims=True)

    fcut01 = (0.5 * (jnp.cos(r01 * (jnp.pi / RC)) + 1.0)
              * (r01 < RC).astype(f32))
    fcut3 = jnp.concatenate([fcut01[:, :A, None], fcut01[:, A:, None]],
                            axis=2)
    fcut3 = jnp.where(ieqj, 0.0, fcut3)
    fbb = jnp.broadcast_to(f[None, :, :], (A, A, L))
    p2 = (f[:, None, :] * fbb).reshape(A * A, L)
    eh = jnp.tanh(jnp.dot(p2, ew1_ref[...], preferred_element_type=f32)
                  + eb1_ref[...])
    e2 = (jnp.dot(eh, ew2_ref[...], preferred_element_type=f32)
          + bias2_ref[0, 1])
    e3 = e2.reshape(A, A, 2)
    cani_ref[0] = jnp.sum(e3 * fcut3, axis=1)


def _sc_gather(emb, sidx):
    ni = sidx.shape[1]
    w = 128
    dpad = emb.shape[1]
    mesh = plsc.VectorSubcoreMesh(core_axis_name="core",
                                  subcore_axis_name="subcore")

    @pl.kernel(out_type=jax.ShapeDtypeStruct((ni, dpad), emb.dtype), mesh=mesh)
    def sc_kernel(emb_hbm, i_hbm, o_hbm):
        def body(i_vmem, o_vmem):
            pltpu.sync_copy(emb_hbm.at[i_vmem.at[0]], o_vmem)

        pltpu.emit_pipeline(
            body,
            grid=(ni // w,),
            in_specs=[pl.BlockSpec((1, w), index_map=lambda i: (0, i))],
            out_specs=[pl.BlockSpec((w, dpad), index_map=lambda i: (i, 0))],
            core_axis_name="subcore",
            dimension_semantics=(pltpu.PARALLEL,),
        )(i_hbm, o_hbm)

    return sc_kernel(emb, sidx)


def _blockdiag(w0, w1):
    z01 = jnp.zeros((w0.shape[0], w1.shape[1]), w0.dtype)
    z10 = jnp.zeros((w1.shape[0], w0.shape[1]), w0.dtype)
    return jnp.block([[w0, z01], [z10, w1]])


@jax.jit
def kernel(species, positions, emb, cw1, cb1, cw2, cb2, pw1, pb1, pw2, pb2,
           ew1, eb1, ew2, eb2):
    f32 = jnp.float32
    G = B // 2
    sidx = species.astype(jnp.int32).reshape(1, B * A)
    emb128 = jnp.pad(emb, ((0, 0), (0, 128 - D)))
    f0 = _sc_gather(emb128, sidx).reshape(B, A, 128)
    posp = jnp.pad(positions.astype(f32), ((0, 0), (0, 0), (0, 5)))
    post = jnp.transpose(posp, (0, 2, 1))

    dup = lambda v: jnp.concatenate([v.reshape(1, -1)] * 2, axis=1)
    cw1b = _blockdiag(cw1, cw1)
    cw2b = _blockdiag(cw2, cw2)
    pw1b = _blockdiag(pw1, pw1)
    pw2b = _blockdiag(pw2, pw2)
    ew1b = _blockdiag(ew1, ew1)
    ew2b = _blockdiag(ew2, ew2)
    bias2 = jnp.stack([pb2, eb2], axis=1)
    wvals = (cw1b, dup(cb1), cw2b, dup(cb2), pw1b, dup(pb1),
             pw2b, ew1b, dup(eb1), ew2b, bias2)
    wspecs = [pl.BlockSpec(v.shape, lambda b: (0, 0)) for v in wvals]

    grid_spec = pl.GridSpec(
        grid=(G,),
        in_specs=[
            pl.BlockSpec((2, A, 128), lambda b: (b, 0, 0)),
            pl.BlockSpec((2, A, 8), lambda b: (b, 0, 0)),
            pl.BlockSpec((2, 8, A), lambda b: (b, 0, 0)),
        ] + wspecs,
        out_specs=[
            pl.BlockSpec((1, 1, 2), lambda b: (b, 0, 0)),
            pl.BlockSpec((1, A, 2), lambda b: (b, 0, 0)),
        ],
    )
    ciso2, cani2 = pl.pallas_call(
        _pair_kernel,
        grid_spec=grid_spec,
        out_shape=[
            jax.ShapeDtypeStruct((G, 1, 2), f32),
            jax.ShapeDtypeStruct((G, A, 2), f32),
        ],
        compiler_params=pltpu.CompilerParams(
            dimension_semantics=("parallel",)),
    )(f0, posp, post, *wvals)
    c_iso = ciso2.reshape(B, 1)
    c_aniso = jnp.swapaxes(cani2, 1, 2).reshape(B, A, 1)
    return c_iso, c_aniso

# --- scband reference (transcript-rebuilt; emitter-appended) ---
"""Pipeline reference for scband-ddnnx-25786983645307 (READ-ONLY COPY).

The authoritative reference and input builder live on the scoring server;
editing this copy changes nothing except your own understanding.
"""

import jax, jax.numpy as jnp
import numpy as np

B, A = 32, 64
N_SPECIES = 20
D = 64
K = 16
CENTERS = jnp.linspace(0.0, 5.0, K)
WIDTH = 0.5
RC = 5.0
UPDATE = 0.5
NCONV = 3
DECAY = 0.5


def setup_inputs(seed: int = 0) -> dict:
    key = jax.random.key(seed)
    ks = jax.random.split(key, 12)
    species = jax.random.randint(ks[0], (B, A), 0, N_SPECIES)
    positions = jax.random.uniform(ks[1], (B, A, 3), dtype=jnp.float32) * 8.0
    emb = jax.random.normal(ks[2], (N_SPECIES, D), dtype=jnp.float32) * 0.1
    cw1 = jax.random.normal(ks[3], (K, D), dtype=jnp.float32) / np.sqrt(K)
    cb1 = jnp.zeros((D,), jnp.float32)
    cw2 = jax.random.normal(ks[4], (D, D), dtype=jnp.float32) / np.sqrt(D)
    cb2 = jnp.zeros((D,), jnp.float32)
    pw1 = jax.random.normal(ks[5], (D, 32), dtype=jnp.float32) / np.sqrt(D)
    pb1 = jnp.zeros((32,), jnp.float32)
    pw2 = jax.random.normal(ks[6], (32, 1), dtype=jnp.float32) / np.sqrt(32)
    pb2 = jnp.zeros((1,), jnp.float32)
    ew1 = jax.random.normal(ks[7], (D, 32), dtype=jnp.float32) / np.sqrt(D)
    eb1 = jnp.zeros((32,), jnp.float32)
    ew2 = jax.random.normal(ks[8], (32, 1), dtype=jnp.float32) / np.sqrt(32)
    eb2 = jnp.zeros((1,), jnp.float32)
    return {"species": species, "positions": positions, "emb": emb,
            "cw1": cw1, "cb1": cb1, "cw2": cw2, "cb2": cb2,
            "pw1": pw1, "pb1": pb1, "pw2": pw2, "pb2": pb2,
            "ew1": ew1, "eb1": eb1, "ew2": ew2, "eb2": eb2}


def reference(species, positions, emb, cw1, cb1, cw2, cb2, pw1, pb1, pw2, pb2, ew1, eb1, ew2, eb2):
    # MolecularEmbedding: species -> per-atom features
    f = jnp.take(emb, species, axis=0)  # [B, A, D]
    diff = positions[:, :, None, :] - positions[:, None, :, :]
    r2 = jnp.sum(diff * diff, axis=-1)
    r = jnp.sqrt(r2 + 1e-9)  # [B, A, A]
    eye = jnp.eye(A, dtype=jnp.float32)[None]
    offdiag = 1.0 - eye
    # NodeConvolve x n_convolutions with decaying update
    for i in range(NCONV):
        g = jnp.exp(-((r[..., None] - CENTERS) ** 2) / (2.0 * WIDTH ** 2)) * offdiag[..., None]  # [B,A,A,K]
        h = jnp.tanh(g @ cw1 + cb1)
        filt = h @ cw2 + cb2  # [B,A,A,D] continuous-filter weights (convolve_net)
        m = jnp.einsum('bijd,bjd->bid', filt, f)
        f = (1.0 - UPDATE) * f + UPDATE * (DECAY ** i) * jnp.tanh(m)
    # NodePool: returns (per_atom, pooled); forward takes [1]
    ph = jnp.tanh(f @ pw1 + pb1)
    per_atom = ph @ pw2 + pb2  # [B, A, 1]
    c_iso = per_atom.sum(axis=1)  # [B, 1]
    # EdgePool with cosine cutoff at rc; returns (r, fcut, edge_contrib); forward takes [2]
    fcut = 0.5 * (jnp.cos(jnp.pi * r / RC) + 1.0) * (r < RC).astype(jnp.float32) * offdiag
    p = f[:, :, None, :] * f[:, None, :, :]  # [B,A,A,D] pair features
    eh = jnp.tanh(p @ ew1 + eb1)
    e = (eh @ ew2 + eb2) * fcut[..., None]  # [B,A,A,1]
    c_aniso = e.sum(axis=2)  # [B, A, 1]
    return (c_iso, c_aniso)

if __name__ == "__main__":
    import jax
    _d = setup_inputs()
    print(jax.jit(kernel)(*tuple(_d.values())))

</pallas_src>

<mosaic_0001>
#map = affine_map<(d0, d1) -> (0, 0)>
module attributes {stable_mosaic.version = 14 : i64} {
  func.func @sc_kernel(%arg0: i32, %arg1: i32, %arg2: memref<20x128xf32, #tpu.memory_space<hbm>>, %arg3: memref<1x2048xi32, #tpu.memory_space<hbm>>, %arg4: memref<2048x128xf32, #tpu.memory_space<hbm>>) attributes {dimension_semantics = [#tpu.dimension_semantics<core_parallel>, #tpu.dimension_semantics<subcore_parallel>], iteration_bounds = array<i64: 2, 16>, scalar_prefetch = 0 : i64, scratch_operands = 0 : i64, tpu.core_type = #tpu.core_type<sc_vector_subcore>, window_params = [{transform_indices = #map}, {transform_indices = #map}, {transform_indices = #map}]} {
    %mul3A = arith.constant 1 : i32
    %mul3A_0 = arith.muli %arg1, %mul3A : i32
    "tpu.region"() ({
      %run_scoped3A = memref.alloca() : memref<2x1x128xi32, #tpu.memory_space<vmem>>
      %run_scoped3A_1 = tpu.sem_alloc : memref<2x!tpu.dma_semaphore, #tpu.memory_space<semaphore_mem>>
      %run_scoped3A_2 = memref.alloca() : memref<2x128x128xf32, #tpu.memory_space<vmem>>
      %run_scoped3A_3 = tpu.sem_alloc : memref<2x!tpu.dma_semaphore, #tpu.memory_space<semaphore_mem>>
      %add3A = arith.constant 0 : i32
      %add3A_4 = arith.addi %add3A, %mul3A_0 : i32
      %select_n3A = arith.constant true
      %select_n3A_5 = arith.constant 0 : i32
      %select_n3A_6 = arith.constant -1 : i32
      %select_n3A_7 = arith.select %select_n3A, %select_n3A_6, %select_n3A_5 : i32
      %eq3A = arith.constant -1 : i32
      %eq3A_8 = arith.cmpi eq, %select_n3A_7, %eq3A : i32
      %select_n3A_9 = arith.constant 0 : i32
      %select_n3A_10 = arith.select %eq3A_8, %select_n3A_9, %select_n3A_7 : i32
      %add3A_11 = arith.constant 0 : i32
      %add3A_12 = arith.addi %add3A_11, %mul3A_0 : i32
      %select_n3A_13 = arith.constant true
      %select_n3A_14 = arith.constant 0 : i32
      %select_n3A_15 = arith.constant 1 : i32
      %select_n3A_16 = arith.select %select_n3A_13, %select_n3A_15, %select_n3A_14 : i32
      %eq3A_17 = arith.constant 1 : i32
      %eq3A_18 = arith.cmpi eq, %select_n3A_16, %eq3A_17 : i32
      %select_n3A_19 = arith.constant 0 : i32
      %select_n3A_20 = arith.select %eq3A_18, %select_n3A_19, %select_n3A_16 : i32
      %add3A_21 = arith.constant 0 : i32
      %add3A_22 = arith.addi %add3A_21, %mul3A_0 : i32
      %select_n3A_23 = arith.constant true
      %select_n3A_24 = arith.constant 0 : i32
      %select_n3A_25 = arith.constant 1 : i32
      %select_n3A_26 = arith.select %select_n3A_23, %select_n3A_25, %select_n3A_24 : i32
      %eq3A_27 = arith.constant 1 : i32
      %eq3A_28 = arith.cmpi eq, %select_n3A_26, %eq3A_27 : i32
      %select_n3A_29 = arith.constant 0 : i32
      %select_n3A_30 = arith.select %eq3A_28, %select_n3A_29, %select_n3A_26 : i32
      %add3A_31 = arith.constant 0 : i32
      %add3A_32 = arith.addi %add3A_31, %mul3A_0 : i32
      "tpu.trace_start"() <{level = 10 : i32, message = "ep_initialize_0"}> : () -> ()
      %rem3A = arith.constant 0 : i32
      %rem3A_33 = arith.constant 2 : i32
      %rem3A_34 = arith.remui %rem3A, %rem3A_33 : i32
      %mul3A_35 = arith.constant 128 : i32
      %mul3A_36 = arith.muli %mul3A_35, %add3A_4 : i32
      %dma_start3A = arith.constant 0 : i32
      %dma_start3A_37 = arith.constant 0 : i32
      %dma_start3A_38 = tpu.memref_slice %run_scoped3A[%rem3A_34, %dma_start3A, %dma_start3A_37] : memref<2x1x128xi32, #tpu.memory_space<vmem>> -> memref<1x1x128xi32, #tpu.memory_space<vmem>>
      %dma_start3A_39 = tpu.memref_squeeze %dma_start3A_38 : memref<1x1x128xi32, #tpu.memory_space<vmem>> -> memref<1x128xi32, #tpu.memory_space<vmem>>
      %dma_start3A_40 = arith.constant 0 : i32
      %dma_start3A_41 = tpu.memref_slice %arg3[%dma_start3A_40, %mul3A_36] : memref<1x2048xi32, #tpu.memory_space<hbm>> -> memref<1x128xi32, #tpu.memory_space<hbm>>
      %dma_start3A_42 = tpu.memref_slice %run_scoped3A_1[%rem3A_34] : memref<2x!tpu.dma_semaphore, #tpu.memory_space<semaphore_mem>> -> memref<1x!tpu.dma_semaphore, #tpu.memory_space<semaphore_mem>>
      %dma_start3A_43 = tpu.memref_squeeze %dma_start3A_42 : memref<1x!tpu.dma_semaphore, #tpu.memory_space<semaphore_mem>> -> memref<!tpu.dma_semaphore, #tpu.memory_space<semaphore_mem>>
      %dma_start3A_44 = arith.constant 0 : i32
      %dma_start3A_45 = arith.constant 0 : i32
      %dma_start3A_46 = tpu.memref_slice %run_scoped3A[%rem3A_34, %dma_start3A_44, %dma_start3A_45] : memref<2x1x128xi32, #tpu.memory_space<vmem>> -> memref<1x1x128xi32, #tpu.memory_space<vmem>>
      %dma_start3A_47 = tpu.memref_squeeze %dma_start3A_46 : memref<1x1x128xi32, #tpu.memory_space<vmem>> -> memref<1x128xi32, #tpu.memory_space<vmem>>
      %dma_start3A_48 = arith.constant 0 : i32
      %dma_start3A_49 = tpu.memref_slice %arg3[%dma_start3A_48, %mul3A_36] : memref<1x2048xi32, #tpu.memory_space<hbm>> -> memref<1x128xi32, #tpu.memory_space<hbm>>
      tpu.enqueue_dma source(%dma_start3A_49 : memref<1x128xi32, #tpu.memory_space<hbm>>) target(%dma_start3A_47 : memref<1x128xi32, #tpu.memory_space<vmem>>) target_semaphore(%dma_start3A_43 : memref<!tpu.dma_semaphore, #tpu.memory_space<semaphore_mem>>)
      %add3A_50 = arith.constant 0 : i32
      %add3A_51 = arith.constant 1 : i32
      %add3A_52 = arith.addi %add3A_50, %add3A_51 : i32
      %select_n3A_53 = arith.constant true
      %select_n3A_54 = arith.constant 0 : i32
      %select_n3A_55 = arith.select %select_n3A_53, %add3A_52, %select_n3A_54 : i32
      "tpu.trace_stop"() : () -> ()
      %scan3A = arith.constant 0 : i32
      %scan3A_56 = arith.constant 0 : i32
      %scan3A_57 = arith.constant 0 : i32
      %scan3A_58 = arith.constant 0 : i32
      %scan3A_59 = arith.constant 0 : i32
      %eq3A_60 = arith.constant 0 : i32
      %eq3A_61 = arith.cmpi eq, %scan3A_59, %eq3A_60 : i32
      %eq3A_62 = arith.constant 0 : i32
      %eq3A_63 = arith.cmpi eq, %scan3A_59, %eq3A_62 : i32
      %add3A_64 = arith.constant 0 : i32
      %add3A_65 = arith.addi %add3A_64, %mul3A_0 : i32
      %select_n3A_66 = arith.constant true
      %select_n3A_67 = arith.constant 0 : i32
      %select_n3A_68 = arith.constant -1 : i32
      %select_n3A_69 = arith.select %select_n3A_66, %select_n3A_68, %select_n3A_67 : i32
      %eq3A_70 = arith.constant -1 : i32
      %eq3A_71 = arith.cmpi eq, %select_n3A_69, %eq3A_70 : i32
      %select_n3A_72 = arith.constant 0 : i32
      %select_n3A_73 = arith.select %eq3A_71, %select_n3A_72, %select_n3A_69 : i32
      %add3A_74 = arith.constant 0 : i32
      %add3A_75 = arith.addi %add3A_74, %mul3A_0 : i32
      %select_n3A_76 = arith.constant true
      %select_n3A_77 = arith.constant 0 : i32
      %select_n3A_78 = arith.constant 1 : i32
      %select_n3A_79 = arith.select %select_n3A_76, %select_n3A_78, %select_n3A_77 : i32
      %eq3A_80 = arith.constant 1 : i32
      %eq3A_81 = arith.cmpi eq, %select_n3A_79, %eq3A_80 : i32
      %select_n3A_82 = arith.constant 0 : i32
      %select_n3A_83 = arith.select %eq3A_81, %select_n3A_82, %select_n3A_79 : i32
      %add3A_84 = arith.constant 0 : i32
      %add3A_85 = arith.addi %add3A_84, %mul3A_0 : i32
      %select_n3A_86 = arith.constant true
      %select_n3A_87 = arith.constant 0 : i32
      %select_n3A_88 = arith.constant 1 : i32
      %select_n3A_89 = arith.select %select_n3A_86, %select_n3A_88, %select_n3A_87 : i32
      %eq3A_90 = arith.constant 1 : i32
      %eq3A_91 = arith.cmpi eq, %select_n3A_89, %eq3A_90 : i32
      %select_n3A_92 = arith.constant 0 : i32
      %select_n3A_93 = arith.select %eq3A_91, %select_n3A_92, %select_n3A_89 : i32
      %add3A_94 = arith.constant 0 : i32
      %add3A_95 = arith.addi %add3A_94, %mul3A_0 : i32
      %ne3A = arith.cmpi ne, %add3A_65, %add3A_85 : i32
      %or3A = arith.constant false
      %or3A_96 = arith.ori %or3A, %ne3A : i1
      %ge3A = arith.constant 0 : i32
      %ge3A_97 = arith.cmpi sge, %scan3A_59, %ge3A : i32
      %not3A = arith.constant true
      %not3A_98 = arith.xori %ge3A_97, %not3A : i1
      %and3A = arith.andi %or3A_96, %not3A_98 : i1
      %convert_element_type3A = arith.extui %and3A : i1 to i32
      %cond3A = arith.constant 0 : i32
      %cond3A_99 = arith.cmpi ne, %convert_element_type3A, %cond3A : i32
      scf.if %cond3A_99 {
        "tpu.trace_start"() <{level = 10 : i32, message = "ep_copy_in"}> : () -> ()
        %rem3A_259 = arith.constant 2 : i32
        %rem3A_260 = arith.remui %select_n3A_55, %rem3A_259 : i32
        %mul3A_261 = arith.constant 128 : i32
        %mul3A_262 = arith.muli %mul3A_261, %add3A_85 : i32
        %dma_start3A_263 = arith.constant 0 : i32
        %dma_start3A_264 = arith.constant 0 : i32
        %dma_start3A_265 = tpu.memref_slice %run_scoped3A[%rem3A_260, %dma_start3A_263, %dma_start3A_264] : memref<2x1x128xi32, #tpu.memory_space<vmem>> -> memref<1x1x128xi32, #tpu.memory_space<vmem>>
        %dma_start3A_266 = tpu.memref_squeeze %dma_start3A_265 : memref<1x1x128xi32, #tpu.memory_space<vmem>> -> memref<1x128xi32, #tpu.memory_space<vmem>>
        %dma_start3A_267 = arith.constant 0 : i32
        %dma_start3A_268 = tpu.memref_slice %arg3[%dma_start3A_267, %mul3A_262] : memref<1x2048xi32, #tpu.memory_space<hbm>> -> memref<1x128xi32, #tpu.memory_space<hbm>>
        %dma_start3A_269 = tpu.memref_slice %run_scoped3A_1[%rem3A_260] : memref<2x!tpu.dma_semaphore, #tpu.memory_space<semaphore_mem>> -> memref<1x!tpu.dma_semaphore, #tpu.memory_space<semaphore_mem>>
        %dma_start3A_270 = tpu.memref_squeeze %dma_start3A_269 : memref<1x!tpu.dma_semaphore, #tpu.memory_space<semaphore_mem>> -> memref<!tpu.dma_semaphore, #tpu.memory_space<semaphore_mem>>
        %dma_start3A_271 = arith.constant 0 : i32
        %dma_start3A_272 = arith.constant 0 : i32
        %dma_start3A_273 = tpu.memref_slice %run_scoped3A[%rem3A_260, %dma_start3A_271, %dma_start3A_272] : memref<2x1x128xi32, #tpu.memory_space<vmem>> -> memref<1x1x128xi32, #tpu.memory_space<vmem>>
        %dma_start3A_274 = tpu.memref_squeeze %dma_start3A_273 : memref<1x1x128xi32, #tpu.memory_space<vmem>> -> memref<1x128xi32, #tpu.memory_space<vmem>>
        %dma_start3A_275 = arith.constant 0 : i32
        %dma_start3A_276 = tpu.memref_slice %arg3[%dma_start3A_275, %mul3A_262] : memref<1x2048xi32, #tpu.memory_space<hbm>> -> memref<1x128xi32, #tpu.memory_space<hbm>>
        tpu.enqueue_dma source(%dma_start3A_276 : memref<1x128xi32, #tpu.memory_space<hbm>>) target(%dma_start3A_274 : memref<1x128xi32, #tpu.memory_space<vmem>>) target_semaphore(%dma_start3A_270 : memref<!tpu.dma_semaphore, #tpu.memory_space<semaphore_mem>>)
        "tpu.trace_stop"() : () -> ()
      } else {
      }
      %and3A_100 = arith.constant true
      %and3A_101 = arith.andi %and3A, %and3A_100 : i1
      %add3A_102 = arith.constant 1 : i32
      %add3A_103 = arith.addi %select_n3A_55, %add3A_102 : i32
      %select_n3A_104 = arith.select %and3A_101, %add3A_103, %select_n3A_55 : i32
      %ne3A_105 = arith.cmpi ne, %add3A_65, %add3A_85 : i32
      %or3A_106 = arith.constant false
      %or3A_107 = arith.ori %or3A_106, %ne3A_105 : i1
      %or3A_108 = arith.constant false
      %or3A_109 = arith.ori %or3A_107, %or3A_108 : i1
      %ge3A_110 = arith.constant 0 : i32
      %ge3A_111 = arith.cmpi sge, %scan3A_59, %ge3A_110 : i32
      %not3A_112 = arith.constant true
      %not3A_113 = arith.xori %ge3A_111, %not3A_112 : i1
      %and3A_114 = arith.andi %or3A_109, %not3A_113 : i1
      %ne3A_115 = arith.cmpi ne, %add3A_65, %add3A_75 : i32
      %or3A_116 = arith.constant false
      %or3A_117 = arith.ori %or3A_116, %ne3A_115 : i1
      %or3A_118 = arith.ori %or3A_117, %eq3A_61 : i1
      %convert_element_type3A_119 = arith.extui %or3A_118 : i1 to i32
      %cond3A_120 = arith.constant 0 : i32
      %cond3A_121 = arith.cmpi ne, %convert_element_type3A_119, %cond3A_120 : i32
      scf.if %cond3A_121 {
        "tpu.trace_start"() <{level = 10 : i32, message = "ep_wait_in"}> : () -> ()
        %mul3A_259 = arith.constant 128 : i32
        %mul3A_260 = arith.muli %mul3A_259, %add3A_65 : i32
        %rem3A_261 = arith.constant 2 : i32
        %rem3A_262 = arith.remui %scan3A, %rem3A_261 : i32
        %dma_wait3A_263 = arith.constant 0 : i32
        %dma_wait3A_264 = arith.constant 0 : i32
        %dma_wait3A_265 = tpu.memref_slice %run_scoped3A[%rem3A_262, %dma_wait3A_263, %dma_wait3A_264] : memref<2x1x128xi32, #tpu.memory_space<vmem>> -> memref<1x1x128xi32, #tpu.memory_space<vmem>>
        %dma_wait3A_266 = tpu.memref_squeeze %dma_wait3A_265 : memref<1x1x128xi32, #tpu.memory_space<vmem>> -> memref<1x128xi32, #tpu.memory_space<vmem>>
        %dma_wait3A_267 = arith.constant 0 : i32
        %dma_wait3A_268 = tpu.memref_slice %arg3[%dma_wait3A_267, %mul3A_260] : memref<1x2048xi32, #tpu.memory_space<hbm>> -> memref<1x128xi32, #tpu.memory_space<hbm>>
        %dma_wait3A_269 = tpu.memref_slice %run_scoped3A_1[%rem3A_262] : memref<2x!tpu.dma_semaphore, #tpu.memory_space<semaphore_mem>> -> memref<1x!tpu.dma_semaphore, #tpu.memory_space<semaphore_mem>>
        %dma_wait3A_270 = tpu.memref_squeeze %dma_wait3A_269 : memref<1x!tpu.dma_semaphore, #tpu.memory_space<semaphore_mem>> -> memref<!tpu.dma_semaphore, #tpu.memory_space<semaphore_mem>>
        %dma_wait3A_271 = arith.constant 0 : i32
        %dma_wait3A_272 = arith.constant 0 : i32
        %dma_wait3A_273 = tpu.memref_slice %run_scoped3A[%rem3A_262, %dma_wait3A_271, %dma_wait3A_272] : memref<2x1x128xi32, #tpu.memory_space<vmem>> -> memref<1x1x128xi32, #tpu.memory_space<vmem>>
        %dma_wait3A_274 = tpu.memref_squeeze %dma_wait3A_273 : memref<1x1x128xi32, #tpu.memory_space<vmem>> -> memref<1x128xi32, #tpu.memory_space<vmem>>
        %dma_wait3A_275 = arith.constant 0 : i32
        %dma_wait3A_276 = tpu.memref_slice %arg3[%dma_wait3A_275, %mul3A_260] : memref<1x2048xi32, #tpu.memory_space<hbm>> -> memref<1x128xi32, #tpu.memory_space<hbm>>
        tpu.wait_dma2 semaphore(%dma_wait3A_270 : memref<!tpu.dma_semaphore, #tpu.memory_space<semaphore_mem>>) src(%dma_wait3A_276 : memref<1x128xi32, #tpu.memory_space<hbm>>) dst(%dma_wait3A_274 : memref<1x128xi32, #tpu.memory_space<vmem>>)
        "tpu.trace_stop"() : () -> ()
      } else {
      }
      %ne3A_122 = arith.cmpi ne, %add3A_65, %add3A_75 : i32
      %or3A_123 = arith.constant false
      %or3A_124 = arith.ori %or3A_123, %ne3A_122 : i1
      %or3A_125 = arith.constant false
      %or3A_126 = arith.ori %or3A_124, %or3A_125 : i1
      %or3A_127 = arith.ori %or3A_126, %eq3A_61 : i1
      %convert_element_type3A_128 = arith.extui %or3A_127 : i1 to i32
      %cond3A_129 = arith.constant 0 : i32
      %cond3A_130 = arith.cmpi ne, %convert_element_type3A_128, %cond3A_129 : i32
      scf.if %cond3A_130 {
      } else {
      }
      %rem3A_131 = arith.constant 2 : i32
      %rem3A_132 = arith.remui %scan3A, %rem3A_131 : i32
      %rem3A_133 = arith.constant 2 : i32
      %rem3A_134 = arith.remui %scan3A_56, %rem3A_133 : i32
      %run_scoped3A_135 = arith.constant 0 : i32
      "tpu.trace_start"() <{level = 10 : i32, message = "ep_run_kernel"}> : () -> ()
      "tpu.region"() ({
        %run_scoped3A_259 = tpu.sem_alloc : memref<!tpu.dma_semaphore, #tpu.memory_space<semaphore_mem>>
        %dma_start3A_260 = arith.constant 0 : i32
        %dma_start3A_261 = arith.constant 0 : i32
        %dma_start3A_262 = tpu.memref_slice %run_scoped3A_2[%rem3A_134, %dma_start3A_260, %dma_start3A_261] : memref<2x128x128xf32, #tpu.memory_space<vmem>> -> memref<1x128x128xf32, #tpu.memory_space<vmem>>
        %dma_start3A_263 = tpu.memref_squeeze %dma_start3A_262 : memref<1x128x128xf32, #tpu.memory_space<vmem>> -> memref<128x128xf32, #tpu.memory_space<vmem>>
        %dma_start3A_264 = arith.constant 0 : i32
        %dma_start3A_265 = arith.constant 0 : i32
        %dma_start3A_266 = tpu.memref_slice %run_scoped3A[%rem3A_132, %dma_start3A_264, %dma_start3A_265] : memref<2x1x128xi32, #tpu.memory_space<vmem>> -> memref<1x1x128xi32, #tpu.memory_space<vmem>>
        %dma_start3A_267 = tpu.memref_squeeze %dma_start3A_266 : memref<1x1x128xi32, #tpu.memory_space<vmem>> -> memref<1x128xi32, #tpu.memory_space<vmem>>
        %dma_start3A_268 = arith.constant 0 : i32
        %dma_start3A_269 = tpu.memref_slice %dma_start3A_267[%run_scoped3A_135, %dma_start3A_268] : memref<1x128xi32, #tpu.memory_space<vmem>> -> memref<1x128xi32, #tpu.memory_space<vmem>>
        %dma_start3A_270 = tpu.memref_squeeze %dma_start3A_269 : memref<1x128xi32, #tpu.memory_space<vmem>> -> memref<128xi32, #tpu.memory_space<vmem>>
        %dma_start3A_271 = arith.constant 0 : i32
        %dma_start3A_272 = arith.constant 0 : i32
        %dma_start3A_273 = tpu.memref_slice %arg2[%dma_start3A_271, %dma_start3A_272] : memref<20x128xf32, #tpu.memory_space<hbm>> -> memref<20x128xf32, #tpu.memory_space<hbm>>
        tpu.enqueue_indirect_dma source(%dma_start3A_273 : memref<20x128xf32, #tpu.memory_space<hbm>>) target(%dma_start3A_263 : memref<128x128xf32, #tpu.memory_space<vmem>>) offsets(%dma_start3A_270 : memref<128xi32, #tpu.memory_space<vmem>>) semaphore(%run_scoped3A_259 : memref<!tpu.dma_semaphore, #tpu.memory_space<semaphore_mem>>)
        %dma_wait3A_274 = arith.constant 0 : i32
        %dma_wait3A_275 = arith.constant 0 : i32
        %dma_wait3A_276 = tpu.memref_slice %run_scoped3A_2[%rem3A_134, %dma_wait3A_274, %dma_wait3A_275] : memref<2x128x128xf32, #tpu.memory_space<vmem>> -> memref<1x128x128xf32, #tpu.memory_space<vmem>>
        %dma_wait3A_277 = tpu.memref_squeeze %dma_wait3A_276 : memref<1x128x128xf32, #tpu.memory_space<vmem>> -> memref<128x128xf32, #tpu.memory_space<vmem>>
        %dma_wait3A_278 = arith.constant 0 : i32
        %dma_wait3A_279 = arith.constant 0 : i32
        %dma_wait3A_280 = tpu.memref_slice %run_scoped3A[%rem3A_132, %dma_wait3A_278, %dma_wait3A_279] : memref<2x1x128xi32, #tpu.memory_space<vmem>> -> memref<1x1x128xi32, #tpu.memory_space<vmem>>
        %dma_wait3A_281 = tpu.memref_squeeze %dma_wait3A_280 : memref<1x1x128xi32, #tpu.memory_space<vmem>> -> memref<1x128xi32, #tpu.memory_space<vmem>>
        %dma_wait3A_282 = arith.constant 0 : i32
        %dma_wait3A_283 = tpu.memref_slice %dma_wait3A_281[%run_scoped3A_135, %dma_wait3A_282] : memref<1x128xi32, #tpu.memory_space<vmem>> -> memref<1x128xi32, #tpu.memory_space<vmem>>
        %dma_wait3A_284 = tpu.memref_squeeze %dma_wait3A_283 : memref<1x128xi32, #tpu.memory_space<vmem>> -> memref<128xi32, #tpu.memory_space<vmem>>
        %dma_wait3A_285 = arith.constant 0 : i32
        %dma_wait3A_286 = arith.constant 0 : i32
        %dma_wait3A_287 = tpu.memref_slice %arg2[%dma_wait3A_285, %dma_wait3A_286] : memref<20x128xf32, #tpu.memory_space<hbm>> -> memref<20x128xf32, #tpu.memory_space<hbm>>
        tpu.wait_indirect_dma semaphore(%run_scoped3A_259 : memref<!tpu.dma_semaphore, #tpu.memory_space<semaphore_mem>>) src(%dma_wait3A_287 : memref<20x128xf32, #tpu.memory_space<hbm>>) dst(%dma_wait3A_277 : memref<128x128xf32, #tpu.memory_space<vmem>>)
        tpu.yield
      }) : () -> ()
      "tpu.trace_stop"() : () -> ()
      %ne3A_136 = arith.cmpi ne, %add3A_65, %add3A_85 : i32
      %or3A_137 = arith.constant false
      %or3A_138 = arith.ori %or3A_137, %ne3A_136 : i1
      %or3A_139 = arith.ori %or3A_138, %eq3A_63 : i1
      %convert_element_type3A_140 = arith.extui %or3A_139 : i1 to i32
      %cond3A_141 = arith.constant 0 : i32
      %cond3A_142 = arith.cmpi ne, %convert_element_type3A_140, %cond3A_141 : i32
      scf.if %cond3A_142 {
      } else {
      }
      %and3A_143 = arith.constant false
      %and3A_144 = arith.andi %or3A_139, %and3A_143 : i1
      %ne3A_145 = arith.cmpi ne, %add3A_65, %add3A_85 : i32
      %or3A_146 = arith.constant false
      %or3A_147 = arith.ori %or3A_146, %ne3A_145 : i1
      %or3A_148 = arith.constant false
      %or3A_149 = arith.ori %or3A_147, %or3A_148 : i1
      %or3A_150 = arith.ori %or3A_149, %eq3A_63 : i1
      %convert_element_type3A_151 = arith.extui %or3A_150 : i1 to i32
      %cond3A_152 = arith.constant 0 : i32
      %cond3A_153 = arith.cmpi ne, %convert_element_type3A_151, %cond3A_152 : i32
      scf.if %cond3A_153 {
        "tpu.trace_start"() <{level = 10 : i32, message = "ep_copy_out"}> : () -> ()
        %rem3A_259 = arith.constant 2 : i32
        %rem3A_260 = arith.remui %scan3A_56, %rem3A_259 : i32
        %mul3A_261 = arith.constant 128 : i32
        %mul3A_262 = arith.muli %mul3A_261, %add3A_65 : i32
        %dma_start3A_263 = arith.constant 0 : i32
        %dma_start3A_264 = arith.constant 0 : i32
        %dma_start3A_265 = tpu.memref_slice %run_scoped3A_2[%rem3A_260, %dma_start3A_263, %dma_start3A_264] : memref<2x128x128xf32, #tpu.memory_space<vmem>> -> memref<1x128x128xf32, #tpu.memory_space<vmem>>
        %dma_start3A_266 = tpu.memref_squeeze %dma_start3A_265 : memref<1x128x128xf32, #tpu.memory_space<vmem>> -> memref<128x128xf32, #tpu.memory_space<vmem>>
        %dma_start3A_267 = arith.constant 0 : i32
        %dma_start3A_268 = tpu.memref_slice %arg4[%mul3A_262, %dma_start3A_267] : memref<2048x128xf32, #tpu.memory_space<hbm>> -> memref<128x128xf32, #tpu.memory_space<hbm>>
        %dma_start3A_269 = tpu.memref_slice %run_scoped3A_3[%rem3A_260] : memref<2x!tpu.dma_semaphore, #tpu.memory_space<semaphore_mem>> -> memref<1x!tpu.dma_semaphore, #tpu.memory_space<semaphore_mem>>
        %dma_start3A_270 = tpu.memref_squeeze %dma_start3A_269 : memref<1x!tpu.dma_semaphore, #tpu.memory_space<semaphore_mem>> -> memref<!tpu.dma_semaphore, #tpu.memory_space<semaphore_mem>>
        %dma_start3A_271 = arith.constant 0 : i32
        %dma_start3A_272 = tpu.memref_slice %arg4[%mul3A_262, %dma_start3A_271] : memref<2048x128xf32, #tpu.memory_space<hbm>> -> memref<128x128xf32, #tpu.memory_space<hbm>>
        %dma_start3A_273 = arith.constant 0 : i32
        %dma_start3A_274 = arith.constant 0 : i32
        %dma_start3A_275 = tpu.memref_slice %run_scoped3A_2[%rem3A_260, %dma_start3A_273, %dma_start3A_274] : memref<2x128x128xf32, #tpu.memory_space<vmem>> -> memref<1x128x128xf32, #tpu.memory_space<vmem>>
        %dma_start3A_276 = tpu.memref_squeeze %dma_start3A_275 : memref<1x128x128xf32, #tpu.memory_space<vmem>> -> memref<128x128xf32, #tpu.memory_space<vmem>>
        tpu.enqueue_dma source(%dma_start3A_276 : memref<128x128xf32, #tpu.memory_space<vmem>>) target(%dma_start3A_272 : memref<128x128xf32, #tpu.memory_space<hbm>>) target_semaphore(%dma_start3A_270 : memref<!tpu.dma_semaphore, #tpu.memory_space<semaphore_mem>>)
        "tpu.trace_stop"() : () -> ()
      } else {
      }
      %and3A_154 = arith.constant true
      %and3A_155 = arith.andi %or3A_150, %and3A_154 : i1
      %add3A_156 = arith.constant 1 : i32
      %add3A_157 = arith.addi %scan3A_56, %add3A_156 : i32
      %select_n3A_158 = arith.select %and3A_155, %add3A_157, %scan3A_56 : i32
      %ne3A_159 = arith.cmpi ne, %add3A_65, %add3A_75 : i32
      %or3A_160 = arith.constant false
      %or3A_161 = arith.ori %or3A_160, %ne3A_159 : i1
      %not3A_162 = arith.constant true
      %not3A_163 = arith.xori %eq3A_61, %not3A_162 : i1
      %and3A_164 = arith.andi %or3A_161, %not3A_163 : i1
      %convert_element_type3A_165 = arith.extui %and3A_164 : i1 to i32
      %cond3A_166 = arith.constant 0 : i32
      %cond3A_167 = arith.cmpi ne, %convert_element_type3A_165, %cond3A_166 : i32
      scf.if %cond3A_167 {
      } else {
      }
      %and3A_168 = arith.constant false
      %and3A_169 = arith.andi %and3A_164, %and3A_168 : i1
      %ne3A_170 = arith.cmpi ne, %add3A_65, %add3A_75 : i32
      %or3A_171 = arith.constant false
      %or3A_172 = arith.ori %or3A_171, %ne3A_170 : i1
      %or3A_173 = arith.constant false
      %or3A_174 = arith.ori %or3A_172, %or3A_173 : i1
      %not3A_175 = arith.constant true
      %not3A_176 = arith.xori %eq3A_61, %not3A_175 : i1
      %and3A_177 = arith.andi %or3A_174, %not3A_176 : i1
      %convert_element_type3A_178 = arith.extui %and3A_177 : i1 to i32
      %cond3A_179 = arith.constant 0 : i32
      %cond3A_180 = arith.cmpi ne, %convert_element_type3A_178, %cond3A_179 : i32
      scf.if %cond3A_180 {
        "tpu.trace_start"() <{level = 10 : i32, message = "ep_wait_out"}> : () -> ()
        %rem3A_259 = arith.constant 2 : i32
        %rem3A_260 = arith.remui %scan3A_57, %rem3A_259 : i32
        %mul3A_261 = arith.constant 128 : i32
        %mul3A_262 = arith.muli %mul3A_261, %add3A_75 : i32
        %dma_wait3A_263 = arith.constant 0 : i32
        %dma_wait3A_264 = arith.constant 0 : i32
        %dma_wait3A_265 = tpu.memref_slice %run_scoped3A_2[%rem3A_260, %dma_wait3A_263, %dma_wait3A_264] : memref<2x128x128xf32, #tpu.memory_space<vmem>> -> memref<1x128x128xf32, #tpu.memory_space<vmem>>
        %dma_wait3A_266 = tpu.memref_squeeze %dma_wait3A_265 : memref<1x128x128xf32, #tpu.memory_space<vmem>> -> memref<128x128xf32, #tpu.memory_space<vmem>>
        %dma_wait3A_267 = arith.constant 0 : i32
        %dma_wait3A_268 = tpu.memref_slice %arg4[%mul3A_262, %dma_wait3A_267] : memref<2048x128xf32, #tpu.memory_space<hbm>> -> memref<128x128xf32, #tpu.memory_space<hbm>>
        %dma_wait3A_269 = tpu.memref_slice %run_scoped3A_3[%rem3A_260] : memref<2x!tpu.dma_semaphore, #tpu.memory_space<semaphore_mem>> -> memref<1x!tpu.dma_semaphore, #tpu.memory_space<semaphore_mem>>
        %dma_wait3A_270 = tpu.memref_squeeze %dma_wait3A_269 : memref<1x!tpu.dma_semaphore, #tpu.memory_space<semaphore_mem>> -> memref<!tpu.dma_semaphore, #tpu.memory_space<semaphore_mem>>
        %dma_wait3A_271 = arith.constant 0 : i32
        %dma_wait3A_272 = tpu.memref_slice %arg4[%mul3A_262, %dma_wait3A_271] : memref<2048x128xf32, #tpu.memory_space<hbm>> -> memref<128x128xf32, #tpu.memory_space<hbm>>
        %dma_wait3A_273 = arith.constant 0 : i32
        %dma_wait3A_274 = arith.constant 0 : i32
        %dma_wait3A_275 = tpu.memref_slice %run_scoped3A_2[%rem3A_260, %dma_wait3A_273, %dma_wait3A_274] : memref<2x128x128xf32, #tpu.memory_space<vmem>> -> memref<1x128x128xf32, #tpu.memory_space<vmem>>
        %dma_wait3A_276 = tpu.memref_squeeze %dma_wait3A_275 : memref<1x128x128xf32, #tpu.memory_space<vmem>> -> memref<128x128xf32, #tpu.memory_space<vmem>>
        tpu.wait_dma2 semaphore(%dma_wait3A_270 : memref<!tpu.dma_semaphore, #tpu.memory_space<semaphore_mem>>) src(%dma_wait3A_276 : memref<128x128xf32, #tpu.memory_space<vmem>>) dst(%dma_wait3A_272 : memref<128x128xf32, #tpu.memory_space<hbm>>)
        "tpu.trace_stop"() : () -> ()
      } else {
      }
      %and3A_181 = arith.constant true
      %and3A_182 = arith.andi %and3A_177, %and3A_181 : i1
      %add3A_183 = arith.constant 1 : i32
      %add3A_184 = arith.addi %scan3A_57, %add3A_183 : i32
      %select_n3A_185 = arith.select %and3A_182, %add3A_184, %scan3A_57 : i32
      %ne3A_186 = arith.cmpi ne, %add3A_65, %add3A_85 : i32
      %or3A_187 = arith.constant false
      %or3A_188 = arith.ori %or3A_187, %ne3A_186 : i1
      %or3A_189 = arith.ori %or3A_188, %eq3A_63 : i1
      %add3A_190 = arith.constant 1 : i32
      %add3A_191 = arith.addi %scan3A, %add3A_190 : i32
      %select_n3A_192 = arith.select %or3A_189, %add3A_191, %scan3A : i32
      %select_n3A_193 = arith.constant true
      %select_n3A_194 = arith.constant 0 : i32
      %select_n3A_195 = arith.constant 1 : i32
      %select_n3A_196 = arith.select %select_n3A_193, %select_n3A_195, %select_n3A_194 : i32
      %eq3A_197 = arith.constant 1 : i32
      %eq3A_198 = arith.cmpi eq, %select_n3A_196, %eq3A_197 : i32
      %select_n3A_199 = arith.constant 0 : i32
      %select_n3A_200 = arith.select %eq3A_198, %select_n3A_199, %select_n3A_196 : i32
      %scan3A_201 = arith.constant 0 : i32
      %scan3A_202 = arith.constant 1 : i32
      %sub3A = arith.constant 1 : i32
      %sub3A_203 = arith.subi %scan3A_201, %sub3A : i32
      %select_n3A_204 = arith.constant true
      %select_n3A_205 = arith.select %select_n3A_204, %sub3A_203, %scan3A_201 : i32
      %eq3A_206 = arith.constant -1 : i32
      %eq3A_207 = arith.cmpi eq, %select_n3A_205, %eq3A_206 : i32
      %select_n3A_208 = arith.constant 0 : i32
      %select_n3A_209 = arith.select %eq3A_207, %select_n3A_208, %select_n3A_205 : i32
      %add3A_210 = arith.constant 0 : i32
      %add3A_211 = arith.addi %add3A_210, %mul3A_0 : i32
      %select_n3A_212 = arith.constant true
      %select_n3A_213 = arith.constant 0 : i32
      %select_n3A_214 = arith.constant -1 : i32
      %select_n3A_215 = arith.select %select_n3A_212, %select_n3A_214, %select_n3A_213 : i32
      %eq3A_216 = arith.constant -1 : i32
      %eq3A_217 = arith.cmpi eq, %select_n3A_215, %eq3A_216 : i32
      %select_n3A_218 = arith.constant 0 : i32
      %select_n3A_219 = arith.select %eq3A_217, %select_n3A_218, %select_n3A_215 : i32
      %add3A_220 = arith.constant 0 : i32
      %add3A_221 = arith.addi %add3A_220, %mul3A_0 : i32
      %select_n3A_222 = arith.constant true
      %select_n3A_223 = arith.constant 0 : i32
      %select_n3A_224 = arith.constant 1 : i32
      %select_n3A_225 = arith.select %select_n3A_222, %select_n3A_224, %select_n3A_223 : i32
      %eq3A_226 = arith.constant 1 : i32
      %eq3A_227 = arith.cmpi eq, %select_n3A_225, %eq3A_226 : i32
      %select_n3A_228 = arith.constant 0 : i32
      %select_n3A_229 = arith.select %eq3A_227, %select_n3A_228, %select_n3A_225 : i32
      %add3A_230 = arith.constant 0 : i32
      %add3A_231 = arith.addi %add3A_230, %mul3A_0 : i32
      %select_n3A_232 = arith.constant true
      %select_n3A_233 = arith.constant 0 : i32
      %select_n3A_234 = arith.constant 1 : i32
      %select_n3A_235 = arith.select %select_n3A_232, %select_n3A_234, %select_n3A_233 : i32
      %eq3A_236 = arith.constant 1 : i32
      %eq3A_237 = arith.cmpi eq, %select_n3A_235, %eq3A_236 : i32
      %select_n3A_238 = arith.constant 0 : i32
      %select_n3A_239 = arith.select %eq3A_237, %select_n3A_238, %select_n3A_235 : i32
      %add3A_240 = arith.constant 0 : i32
      %add3A_241 = arith.addi %add3A_240, %mul3A_0 : i32
      "tpu.trace_start"() <{level = 10 : i32, message = "ep_finalize"}> : () -> ()
      %rem3A_242 = arith.constant 2 : i32
      %rem3A_243 = arith.remui %select_n3A_185, %rem3A_242 : i32
      %mul3A_244 = arith.constant 128 : i32
      %mul3A_245 = arith.muli %mul3A_244, %add3A_211 : i32
      %dma_wait3A = arith.constant 0 : i32
      %dma_wait3A_246 = arith.constant 0 : i32
      %dma_wait3A_247 = tpu.memref_slice %run_scoped3A_2[%rem3A_243, %dma_wait3A, %dma_wait3A_246] : memref<2x128x128xf32, #tpu.memory_space<vmem>> -> memref<1x128x128xf32, #tpu.memory_space<vmem>>
      %dma_wait3A_248 = tpu.memref_squeeze %dma_wait3A_247 : memref<1x128x128xf32, #tpu.memory_space<vmem>> -> memref<128x128xf32, #tpu.memory_space<vmem>>
      %dma_wait3A_249 = arith.constant 0 : i32
      %dma_wait3A_250 = tpu.memref_slice %arg4[%mul3A_245, %dma_wait3A_249] : memref<2048x128xf32, #tpu.memory_space<hbm>> -> memref<128x128xf32, #tpu.memory_space<hbm>>
      %dma_wait3A_251 = tpu.memref_slice %run_scoped3A_3[%rem3A_243] : memref<2x!tpu.dma_semaphore, #tpu.memory_space<semaphore_mem>> -> memref<1x!tpu.dma_semaphore, #tpu.memory_space<semaphore_mem>>
      %dma_wait3A_252 = tpu.memref_squeeze %dma_wait3A_251 : memref<1x!tpu.dma_semaphore, #tpu.memory_space<semaphore_mem>> -> memref<!tpu.dma_semaphore, #tpu.memory_space<semaphore_mem>>
      %dma_wait3A_253 = arith.constant 0 : i32
      %dma_wait3A_254 = tpu.memref_slice %arg4[%mul3A_245, %dma_wait3A_253] : memref<2048x128xf32, #tpu.memory_space<hbm>> -> memref<128x128xf32, #tpu.memory_space<hbm>>
      %dma_wait3A_255 = arith.constant 0 : i32
      %dma_wait3A_256 = arith.constant 0 : i32
      %dma_wait3A_257 = tpu.memref_slice %run_scoped3A_2[%rem3A_243, %dma_wait3A_255, %dma_wait3A_256] : memref<2x128x128xf32, #tpu.memory_space<vmem>> -> memref<1x128x128xf32, #tpu.memory_space<vmem>>
      %dma_wait3A_258 = tpu.memref_squeeze %dma_wait3A_257 : memref<1x128x128xf32, #tpu.memory_space<vmem>> -> memref<128x128xf32, #tpu.memory_space<vmem>>
      tpu.wait_dma2 semaphore(%dma_wait3A_252 : memref<!tpu.dma_semaphore, #tpu.memory_space<semaphore_mem>>) src(%dma_wait3A_258 : memref<128x128xf32, #tpu.memory_space<vmem>>) dst(%dma_wait3A_254 : memref<128x128xf32, #tpu.memory_space<hbm>>)
      "tpu.trace_stop"() : () -> ()
      tpu.yield
    }) : () -> ()
    return
  }
}

module attributes {stable_mosaic.version = 14 : i64} {
  func.func @_pair_kernel(%arg0: i32, %arg1: memref<2x64x128xf32, #tpu.memory_space<vmem>>, %arg2: memref<2x64x8xf32, #tpu.memory_space<vmem>>, %arg3: memref<2x8x64xf32, #tpu.memory_space<vmem>>, %arg4: memref<32x128xf32, #tpu.memory_space<vmem>>, %arg5: memref<1x128xf32, #tpu.memory_space<vmem>>, %arg6: memref<128x128xf32, #tpu.memory_space<vmem>>, %arg7: memref<1x128xf32, #tpu.memory_space<vmem>>, %arg8: memref<128x64xf32, #tpu.memory_space<vmem>>, %arg9: memref<1x64xf32, #tpu.memory_space<vmem>>, %arg10: memref<64x2xf32, #tpu.memory_space<vmem>>, %arg11: memref<128x64xf32, #tpu.memory_space<vmem>>, %arg12: memref<1x64xf32, #tpu.memory_space<vmem>>, %arg13: memref<64x2xf32, #tpu.memory_space<vmem>>, %arg14: memref<1x2xf32, #tpu.memory_space<vmem>>, %arg15: memref<1x1x2xf32, #tpu.memory_space<vmem>>, %arg16: memref<1x64x2xf32, #tpu.memory_space<vmem>>) attributes {dimension_semantics = [#tpu.dimension_semantics<parallel>], iteration_bounds = array<i64: 16>, scalar_prefetch = 0 : i64, scratch_operands = 0 : i64, tpu.core_type = #tpu.core_type<tc>, window_params = [{transform_indices = @transform_0, window_bounds = array<i64: 2, 64, 128>}, {transform_indices = @transform_1, window_bounds = array<i64: 2, 64, 8>}, {transform_indices = @transform_2, window_bounds = array<i64: 2, 8, 64>}, {pipeline_mode = #tpu.pipeline_mode<synchronous>, transform_indices = @transform_3, window_bounds = array<i64: 32, 128>}, {pipeline_mode = #tpu.pipeline_mode<synchronous>, transform_indices = @transform_4, window_bounds = array<i64: 1, 128>}, {pipeline_mode = #tpu.pipeline_mode<synchronous>, transform_indices = @transform_5, window_bounds = array<i64: 128, 128>}, {pipeline_mode = #tpu.pipeline_mode<synchronous>, transform_indices = @transform_6, window_bounds = array<i64: 1, 128>}, {pipeline_mode = #tpu.pipeline_mode<synchronous>, transform_indices = @transform_7, window_bounds = array<i64: 128, 64>}, {pipeline_mode = #tpu.pipeline_mode<synchronous>, transform_indices = @transform_8, window_bounds = array<i64: 1, 64>}, {pipeline_mode = #tpu.pipeline_mode<synchronous>, transform_indices = @transform_9, window_bounds = array<i64: 64, 2>}, {pipeline_mode = #tpu.pipeline_mode<synchronous>, transform_indices = @transform_10, window_bounds = array<i64: 128, 64>}, {pipeline_mode = #tpu.pipeline_mode<synchronous>, transform_indices = @transform_11, window_bounds = array<i64: 1, 64>}, {pipeline_mode = #tpu.pipeline_mode<synchronous>, transform_indices = @transform_12, window_bounds = array<i64: 64, 2>}, {pipeline_mode = #tpu.pipeline_mode<synchronous>, transform_indices = @transform_13, window_bounds = array<i64: 1, 2>}, {transform_indices = @transform_14, window_bounds = array<i64: 1, 1, 2>}, {transform_indices = @transform_15, window_bounds = array<i64: 1, 64, 2>}]} {
    %get3A = arith.constant 0 : index
    %get3A_0 = arith.constant 0 : index
    %get3A_1 = arith.constant 0 : index
    %get3A_2 = vector.load %arg1[%get3A, %get3A_0, %get3A_1] : memref<2x64x128xf32, #tpu.memory_space<vmem>>, vector<1x64x64xf32>
    %get3A_3 = vector.shape_cast %get3A_2 : vector<1x64x64xf32> to vector<64x64xf32>
    %get3A_4 = arith.constant 1 : index
    %get3A_5 = arith.constant 0 : index
    %get3A_6 = arith.constant 0 : index
    %get3A_7 = vector.load %arg1[%get3A_4, %get3A_5, %get3A_6] : memref<2x64x128xf32, #tpu.memory_space<vmem>>, vector<1x64x64xf32>
    %get3A_8 = vector.shape_cast %get3A_7 : vector<1x64x64xf32> to vector<64x64xf32>
    %concatenate3A = tpu.concatenate %get3A_3, %get3A_8 in 1 : vector<64x64xf32>, vector<64x64xf32> -> vector<64x128xf32>
    %get3A_9 = arith.constant 0 : index
    %get3A_10 = arith.constant 0 : index
    %get3A_11 = arith.constant 0 : index
    %get3A_12 = vector.load %arg2[%get3A_9, %get3A_10, %get3A_11] : memref<2x64x8xf32, #tpu.memory_space<vmem>>, vector<1x64x8xf32>
    %get3A_13 = vector.shape_cast %get3A_12 : vector<1x64x8xf32> to vector<64x8xf32>
    %get3A_14 = arith.constant 1 : index
    %get3A_15 = arith.constant 0 : index
    %get3A_16 = arith.constant 0 : index
    %get3A_17 = vector.load %arg2[%get3A_14, %get3A_15, %get3A_16] : memref<2x64x8xf32, #tpu.memory_space<vmem>>, vector<1x64x8xf32>
    %get3A_18 = vector.shape_cast %get3A_17 : vector<1x64x8xf32> to vector<64x8xf32>
    %get3A_19 = arith.constant 0 : index
    %get3A_20 = arith.constant 0 : index
    %get3A_21 = arith.constant 0 : index
    %get3A_22 = vector.load %arg3[%get3A_19, %get3A_20, %get3A_21] : memref<2x8x64xf32, #tpu.memory_space<vmem>>, vector<2x8x64xf32>
    %reshape3A = vector.shape_cast %get3A_22 : vector<2x8x64xf32> to vector<16x64xf32>
    %iota3A = tpu.iota {dimensions = array<i32: 1>} : vector<64x128xi32>
    %lt3A = arith.constant 64 : i32
    %lt3A_23 = vector.broadcast %lt3A : i32 to vector<64x128xi32>
    %lt3A_24 = arith.cmpi slt, %iota3A, %lt3A_23 : vector<64x128xi32>
    %broadcast_in_dim3A = arith.constant 0.000000e+00 : f32
    %broadcast_in_dim3A_25 = vector.broadcast %broadcast_in_dim3A : f32 to vector<64x128xf32>
    %slice3A = vector.extract_strided_slice %get3A_13 {offsets = [0, 0], sizes = [64, 1], strides = [1, 1]} : vector<64x8xf32> to vector<64x1xf32>
    %slice3A_26 = vector.extract_strided_slice %get3A_18 {offsets = [0, 0], sizes = [64, 1], strides = [1, 1]} : vector<64x8xf32> to vector<64x1xf32>
    %broadcast_in_dim3A_27 = vector.shape_cast %slice3A : vector<64x1xf32> to vector<64x1xf32>
    %broadcast_in_dim3A_28 = vector.broadcast %broadcast_in_dim3A_27 : vector<64x1xf32> to vector<64x128xf32>
    %broadcast_in_dim3A_29 = vector.shape_cast %slice3A_26 : vector<64x1xf32> to vector<64x1xf32>
    %broadcast_in_dim3A_30 = vector.broadcast %broadcast_in_dim3A_29 : vector<64x1xf32> to vector<64x128xf32>
    %select_n3A = arith.select %lt3A_24, %broadcast_in_dim3A_28, %broadcast_in_dim3A_30 : vector<64x128xi1>, vector<64x128xf32>
    %slice3A_31 = vector.extract_strided_slice %reshape3A {offsets = [0, 0], sizes = [1, 64], strides = [1, 1]} : vector<16x64xf32> to vector<1x64xf32>
    %slice3A_32 = vector.extract_strided_slice %reshape3A {offsets = [8, 0], sizes = [1, 64], strides = [1, 1]} : vector<16x64xf32> to vector<1x64xf32>
    %concatenate3A_33 = tpu.concatenate %slice3A_31, %slice3A_32 in 1 : vector<1x64xf32>, vector<1x64xf32> -> vector<1x128xf32>
    %sub3A = vector.broadcast %concatenate3A_33 : vector<1x128xf32> to vector<64x128xf32>
    %sub3A_34 = arith.subf %select_n3A, %sub3A : vector<64x128xf32>
    %mul3A = arith.mulf %sub3A_34, %sub3A_34 : vector<64x128xf32>
    %add3A = arith.addf %broadcast_in_dim3A_25, %mul3A : vector<64x128xf32>
    %slice3A_35 = vector.extract_strided_slice %get3A_13 {offsets = [0, 1], sizes = [64, 1], strides = [1, 1]} : vector<64x8xf32> to vector<64x1xf32>
    %slice3A_36 = vector.extract_strided_slice %get3A_18 {offsets = [0, 1], sizes = [64, 1], strides = [1, 1]} : vector<64x8xf32> to vector<64x1xf32>
    %broadcast_in_dim3A_37 = vector.shape_cast %slice3A_35 : vector<64x1xf32> to vector<64x1xf32>
    %broadcast_in_dim3A_38 = vector.broadcast %broadcast_in_dim3A_37 : vector<64x1xf32> to vector<64x128xf32>
    %broadcast_in_dim3A_39 = vector.shape_cast %slice3A_36 : vector<64x1xf32> to vector<64x1xf32>
    %broadcast_in_dim3A_40 = vector.broadcast %broadcast_in_dim3A_39 : vector<64x1xf32> to vector<64x128xf32>
    %select_n3A_41 = arith.select %lt3A_24, %broadcast_in_dim3A_38, %broadcast_in_dim3A_40 : vector<64x128xi1>, vector<64x128xf32>
    %slice3A_42 = vector.extract_strided_slice %reshape3A {offsets = [1, 0], sizes = [1, 64], strides = [1, 1]} : vector<16x64xf32> to vector<1x64xf32>
    %slice3A_43 = vector.extract_strided_slice %reshape3A {offsets = [9, 0], sizes = [1, 64], strides = [1, 1]} : vector<16x64xf32> to vector<1x64xf32>
    %concatenate3A_44 = tpu.concatenate %slice3A_42, %slice3A_43 in 1 : vector<1x64xf32>, vector<1x64xf32> -> vector<1x128xf32>
    %sub3A_45 = vector.broadcast %concatenate3A_44 : vector<1x128xf32> to vector<64x128xf32>
    %sub3A_46 = arith.subf %select_n3A_41, %sub3A_45 : vector<64x128xf32>
    %mul3A_47 = arith.mulf %sub3A_46, %sub3A_46 : vector<64x128xf32>
    %add3A_48 = arith.addf %add3A, %mul3A_47 : vector<64x128xf32>
    %slice3A_49 = vector.extract_strided_slice %get3A_13 {offsets = [0, 2], sizes = [64, 1], strides = [1, 1]} : vector<64x8xf32> to vector<64x1xf32>
    %slice3A_50 = vector.extract_strided_slice %get3A_18 {offsets = [0, 2], sizes = [64, 1], strides = [1, 1]} : vector<64x8xf32> to vector<64x1xf32>
    %broadcast_in_dim3A_51 = vector.shape_cast %slice3A_49 : vector<64x1xf32> to vector<64x1xf32>
    %broadcast_in_dim3A_52 = vector.broadcast %broadcast_in_dim3A_51 : vector<64x1xf32> to vector<64x128xf32>
    %broadcast_in_dim3A_53 = vector.shape_cast %slice3A_50 : vector<64x1xf32> to vector<64x1xf32>
    %broadcast_in_dim3A_54 = vector.broadcast %broadcast_in_dim3A_53 : vector<64x1xf32> to vector<64x128xf32>
    %select_n3A_55 = arith.select %lt3A_24, %broadcast_in_dim3A_52, %broadcast_in_dim3A_54 : vector<64x128xi1>, vector<64x128xf32>
    %slice3A_56 = vector.extract_strided_slice %reshape3A {offsets = [2, 0], sizes = [1, 64], strides = [1, 1]} : vector<16x64xf32> to vector<1x64xf32>
    %slice3A_57 = vector.extract_strided_slice %reshape3A {offsets = [10, 0], sizes = [1, 64], strides = [1, 1]} : vector<16x64xf32> to vector<1x64xf32>
    %concatenate3A_58 = tpu.concatenate %slice3A_56, %slice3A_57 in 1 : vector<1x64xf32>, vector<1x64xf32> -> vector<1x128xf32>
    %sub3A_59 = vector.broadcast %concatenate3A_58 : vector<1x128xf32> to vector<64x128xf32>
    %sub3A_60 = arith.subf %select_n3A_55, %sub3A_59 : vector<64x128xf32>
    %mul3A_61 = arith.mulf %sub3A_60, %sub3A_60 : vector<64x128xf32>
    %add3A_62 = arith.addf %add3A_48, %mul3A_61 : vector<64x128xf32>
    %add3A_63 = arith.constant 9.99999971E-10 : f32
    %add3A_64 = vector.broadcast %add3A_63 : f32 to vector<64x128xf32>
    %add3A_65 = arith.addf %add3A_62, %add3A_64 : vector<64x128xf32>
    %sqrt3A = math.sqrt %add3A_65 : vector<64x128xf32>
    %slice3A_66 = vector.extract_strided_slice %sqrt3A {offsets = [0, 0], sizes = [64, 64], strides = [1, 1]} : vector<64x128xf32> to vector<64x64xf32>
    %broadcast_in_dim3A_67 = vector.shape_cast %slice3A_66 : vector<64x64xf32> to vector<64x64x1xf32>
    %slice3A_68 = vector.extract_strided_slice %sqrt3A {offsets = [0, 64], sizes = [64, 64], strides = [1, 1]} : vector<64x128xf32> to vector<64x64xf32>
    %broadcast_in_dim3A_69 = vector.shape_cast %slice3A_68 : vector<64x64xf32> to vector<64x64x1xf32>
    %iota3A_70 = tpu.iota {dimensions = array<i32: 0>} : vector<64x64x1xi32>
    %iota3A_71 = tpu.iota {dimensions = array<i32: 1>} : vector<64x64x1xi32>
    %eq3A = arith.cmpi eq, %iota3A_70, %iota3A_71 : vector<64x64x1xi32>
    %iota3A_72 = tpu.iota {dimensions = array<i32: 2>} : vector<64x64x32xi32>
    %jit3A = arith.constant 16 : i32
    %eq3A_73 = arith.constant 0 : i32
    %eq3A_74 = arith.cmpi eq, %jit3A, %eq3A_73 : i32
    %jit3A_75 = arith.constant 1 : i32
    %select_n3A_76 = arith.select %eq3A_74, %jit3A_75, %jit3A : i32
    %rem3A = vector.broadcast %select_n3A_76 : i32 to vector<64x64x32xi32>
    %rem3A_77 = arith.remsi %iota3A_72, %rem3A : vector<64x64x32xi32>
    %ne3A = arith.constant 0 : i32
    %ne3A_78 = vector.broadcast %ne3A : i32 to vector<64x64x32xi32>
    %ne3A_79 = arith.cmpi ne, %rem3A_77, %ne3A_78 : vector<64x64x32xi32>
    %lt3A_80 = arith.constant 0 : i32
    %lt3A_81 = vector.broadcast %lt3A_80 : i32 to vector<64x64x32xi32>
    %lt3A_82 = arith.cmpi slt, %rem3A_77, %lt3A_81 : vector<64x64x32xi32>
    %lt3A_83 = arith.constant 0 : i32
    %lt3A_84 = arith.cmpi slt, %select_n3A_76, %lt3A_83 : i32
    %ne3A_85 = vector.broadcast %lt3A_84 : i1 to vector<64x64x32xi1>
    %ne3A_86 = vector.broadcast %ne3A_85 : vector<64x64x32xi1> to vector<64x64x32xi1>
    %ne3A_87 = arith.xori %lt3A_82, %ne3A_86 : vector<64x64x32xi1>
    %and3A = arith.andi %ne3A_87, %ne3A_79 : vector<64x64x32xi1>
    %add3A_88 = vector.broadcast %select_n3A_76 : i32 to vector<64x64x32xi32>
    %add3A_89 = arith.addi %rem3A_77, %add3A_88 : vector<64x64x32xi32>
    %select_n3A_90 = arith.select %and3A, %add3A_89, %rem3A_77 : vector<64x64x32xi1>, vector<64x64x32xi32>
    %convert_element_type3A = arith.sitofp %select_n3A_90 : vector<64x64x32xi32> to vector<64x64x32xf32>
    %mul3A_91 = arith.constant 0.333333343 : f32
    %mul3A_92 = vector.broadcast %mul3A_91 : f32 to vector<64x64x32xf32>
    %mul3A_93 = arith.mulf %convert_element_type3A, %mul3A_92 : vector<64x64x32xf32>
    %lt3A_94 = arith.constant 16 : i32
    %lt3A_95 = vector.broadcast %lt3A_94 : i32 to vector<64x64x32xi32>
    %lt3A_96 = arith.cmpi slt, %iota3A_72, %lt3A_95 : vector<64x64x32xi32>
    %broadcast_in_dim3A_97 = vector.shape_cast %broadcast_in_dim3A_67 : vector<64x64x1xf32> to vector<64x64x1xf32>
    %broadcast_in_dim3A_98 = vector.broadcast %broadcast_in_dim3A_97 : vector<64x64x1xf32> to vector<64x64x32xf32>
    %broadcast_in_dim3A_99 = vector.shape_cast %broadcast_in_dim3A_69 : vector<64x64x1xf32> to vector<64x64x1xf32>
    %broadcast_in_dim3A_100 = vector.broadcast %broadcast_in_dim3A_99 : vector<64x64x1xf32> to vector<64x64x32xf32>
    %select_n3A_101 = arith.select %lt3A_96, %broadcast_in_dim3A_98, %broadcast_in_dim3A_100 : vector<64x64x32xi1>, vector<64x64x32xf32>
    %sub3A_102 = arith.subf %select_n3A_101, %mul3A_93 : vector<64x64x32xf32>
    %mul3A_103 = arith.mulf %sub3A_102, %sub3A_102 : vector<64x64x32xf32>
    %mul3A_104 = arith.constant -2.000000e+00 : f32
    %mul3A_105 = vector.broadcast %mul3A_104 : f32 to vector<64x64x32xf32>
    %mul3A_106 = arith.mulf %mul3A_103, %mul3A_105 : vector<64x64x32xf32>
    %exp3A = math.exp %mul3A_106 : vector<64x64x32xf32>
    %jit3A_107 = arith.constant 0.000000e+00 : f32
    %broadcast_in_dim3A_108 = vector.shape_cast %eq3A : vector<64x64x1xi1> to vector<64x64x1xi1>
    %broadcast_in_dim3A_109 = vector.broadcast %broadcast_in_dim3A_108 : vector<64x64x1xi1> to vector<64x64x32xi1>
    %broadcast_in_dim3A_110 = vector.broadcast %jit3A_107 : f32 to vector<64x64x32xf32>
    %select_n3A_111 = arith.select %broadcast_in_dim3A_109, %broadcast_in_dim3A_110, %exp3A : vector<64x64x32xi1>, vector<64x64x32xf32>
    %reshape3A_112 = vector.shape_cast %select_n3A_111 : vector<64x64x32xf32> to vector<4096x32xf32>
    %get3A_113 = arith.constant 0 : index
    %get3A_114 = arith.constant 0 : index
    %get3A_115 = vector.load %arg4[%get3A_113, %get3A_114] : memref<32x128xf32, #tpu.memory_space<vmem>>, vector<32x128xf32>
    %dot_general3A = arith.constant dense<0.000000e+00> : vector<4096x128xf32>
    %dot_general3A_116 = tpu.matmul %reshape3A_112, %get3A_115, %dot_general3A {dimension_numbers = #tpu.dot_dimension_numbers<[1], [0], [0], [1], [0, 0, 1, 1], [], []>, transpose_lhs_hint = false} : vector<4096x32xf32>, vector<32x128xf32>, vector<4096x128xf32> -> vector<4096x128xf32>
    %get3A_117 = arith.constant 0 : index
    %get3A_118 = arith.constant 0 : index
    %get3A_119 = vector.load %arg5[%get3A_117, %get3A_118] : memref<1x128xf32, #tpu.memory_space<vmem>>, vector<1x128xf32>
    %add3A_120 = vector.broadcast %get3A_119 : vector<1x128xf32> to vector<4096x128xf32>
    %add3A_121 = arith.addf %dot_general3A_116, %add3A_120 : vector<4096x128xf32>
    %tanh3A = math.tanh %add3A_121 : vector<4096x128xf32>
    %get3A_122 = arith.constant 0 : index
    %get3A_123 = arith.constant 0 : index
    %get3A_124 = vector.load %arg6[%get3A_122, %get3A_123] : memref<128x128xf32, #tpu.memory_space<vmem>>, vector<128x128xf32>
    %dot_general3A_125 = arith.constant dense<0.000000e+00> : vector<4096x128xf32>
    %dot_general3A_126 = tpu.matmul %tanh3A, %get3A_124, %dot_general3A_125 {dimension_numbers = #tpu.dot_dimension_numbers<[1], [0], [0], [1], [0, 0, 1, 1], [], []>, transpose_lhs_hint = false} : vector<4096x128xf32>, vector<128x128xf32>, vector<4096x128xf32> -> vector<4096x128xf32>
    %get3A_127 = arith.constant 0 : index
    %get3A_128 = arith.constant 0 : index
    %get3A_129 = vector.load %arg7[%get3A_127, %get3A_128] : memref<1x128xf32, #tpu.memory_space<vmem>>, vector<1x128xf32>
    %add3A_130 = vector.broadcast %get3A_129 : vector<1x128xf32> to vector<4096x128xf32>
    %add3A_131 = arith.addf %dot_general3A_126, %add3A_130 : vector<4096x128xf32>
    %reshape3A_132 = vector.shape_cast %add3A_131 : vector<4096x128xf32> to vector<64x64x128xf32>
    %broadcast_in_dim3A_133 = vector.shape_cast %concatenate3A : vector<64x128xf32> to vector<1x64x128xf32>
    %broadcast_in_dim3A_134 = vector.shape_cast %broadcast_in_dim3A_133 : vector<1x64x128xf32> to vector<1x64x128xf32>
    %broadcast_in_dim3A_135 = vector.broadcast %broadcast_in_dim3A_134 : vector<1x64x128xf32> to vector<64x64x128xf32>
    %mul3A_136 = arith.mulf %reshape3A_132, %broadcast_in_dim3A_135 : vector<64x64x128xf32>
    %reduce_sum3A = arith.constant dense<0.000000e+00> : vector<64x128xf32>
    %reduce_sum3A_137 = vector.multi_reduction <add>, %mul3A_136, %reduce_sum3A [1] : vector<64x64x128xf32> to vector<64x128xf32>
    %mul3A_138 = arith.constant 5.000000e-01 : f32
    %mul3A_139 = vector.broadcast %mul3A_138 : f32 to vector<64x128xf32>
    %mul3A_140 = arith.mulf %mul3A_139, %concatenate3A : vector<64x128xf32>
    %tanh3A_141 = math.tanh %reduce_sum3A_137 : vector<64x128xf32>
    %mul3A_142 = arith.constant 5.000000e-01 : f32
    %mul3A_143 = vector.broadcast %mul3A_142 : f32 to vector<64x128xf32>
    %mul3A_144 = arith.mulf %mul3A_143, %tanh3A_141 : vector<64x128xf32>
    %add3A_145 = arith.addf %mul3A_140, %mul3A_144 : vector<64x128xf32>
    %broadcast_in_dim3A_146 = vector.shape_cast %add3A_145 : vector<64x128xf32> to vector<1x64x128xf32>
    %broadcast_in_dim3A_147 = vector.shape_cast %broadcast_in_dim3A_146 : vector<1x64x128xf32> to vector<1x64x128xf32>
    %broadcast_in_dim3A_148 = vector.broadcast %broadcast_in_dim3A_147 : vector<1x64x128xf32> to vector<64x64x128xf32>
    %mul3A_149 = arith.mulf %reshape3A_132, %broadcast_in_dim3A_148 : vector<64x64x128xf32>
    %reduce_sum3A_150 = arith.constant dense<0.000000e+00> : vector<64x128xf32>
    %reduce_sum3A_151 = vector.multi_reduction <add>, %mul3A_149, %reduce_sum3A_150 [1] : vector<64x64x128xf32> to vector<64x128xf32>
    %mul3A_152 = arith.constant 5.000000e-01 : f32
    %mul3A_153 = vector.broadcast %mul3A_152 : f32 to vector<64x128xf32>
    %mul3A_154 = arith.mulf %mul3A_153, %add3A_145 : vector<64x128xf32>
    %tanh3A_155 = math.tanh %reduce_sum3A_151 : vector<64x128xf32>
    %mul3A_156 = arith.constant 2.500000e-01 : f32
    %mul3A_157 = vector.broadcast %mul3A_156 : f32 to vector<64x128xf32>
    %mul3A_158 = arith.mulf %mul3A_157, %tanh3A_155 : vector<64x128xf32>
    %add3A_159 = arith.addf %mul3A_154, %mul3A_158 : vector<64x128xf32>
    %broadcast_in_dim3A_160 = vector.shape_cast %add3A_159 : vector<64x128xf32> to vector<1x64x128xf32>
    %broadcast_in_dim3A_161 = vector.shape_cast %broadcast_in_dim3A_160 : vector<1x64x128xf32> to vector<1x64x128xf32>
    %broadcast_in_dim3A_162 = vector.broadcast %broadcast_in_dim3A_161 : vector<1x64x128xf32> to vector<64x64x128xf32>
    %mul3A_163 = arith.mulf %reshape3A_132, %broadcast_in_dim3A_162 : vector<64x64x128xf32>
    %reduce_sum3A_164 = arith.constant dense<0.000000e+00> : vector<64x128xf32>
    %reduce_sum3A_165 = vector.multi_reduction <add>, %mul3A_163, %reduce_sum3A_164 [1] : vector<64x64x128xf32> to vector<64x128xf32>
    %mul3A_166 = arith.constant 5.000000e-01 : f32
    %mul3A_167 = vector.broadcast %mul3A_166 : f32 to vector<64x128xf32>
    %mul3A_168 = arith.mulf %mul3A_167, %add3A_159 : vector<64x128xf32>
    %tanh3A_169 = math.tanh %reduce_sum3A_165 : vector<64x128xf32>
    %mul3A_170 = arith.constant 1.250000e-01 : f32
    %mul3A_171 = vector.broadcast %mul3A_170 : f32 to vector<64x128xf32>
    %mul3A_172 = arith.mulf %mul3A_171, %tanh3A_169 : vector<64x128xf32>
    %add3A_173 = arith.addf %mul3A_168, %mul3A_172 : vector<64x128xf32>
    %get3A_174 = arith.constant 0 : index
    %get3A_175 = arith.constant 0 : index
    %get3A_176 = vector.load %arg8[%get3A_174, %get3A_175] : memref<128x64xf32, #tpu.memory_space<vmem>>, vector<128x64xf32>
    %dot_general3A_177 = arith.constant dense<0.000000e+00> : vector<64x64xf32>
    %dot_general3A_178 = tpu.matmul %add3A_173, %get3A_176, %dot_general3A_177 {dimension_numbers = #tpu.dot_dimension_numbers<[1], [0], [0], [1], [0, 0, 1, 1], [], []>, transpose_lhs_hint = false} : vector<64x128xf32>, vector<128x64xf32>, vector<64x64xf32> -> vector<64x64xf32>
    %get3A_179 = arith.constant 0 : index
    %get3A_180 = arith.constant 0 : index
    %get3A_181 = vector.load %arg9[%get3A_179, %get3A_180] : memref<1x64xf32, #tpu.memory_space<vmem>>, vector<1x64xf32>
    %add3A_182 = vector.broadcast %get3A_181 : vector<1x64xf32> to vector<64x64xf32>
    %add3A_183 = arith.addf %dot_general3A_178, %add3A_182 : vector<64x64xf32>
    %tanh3A_184 = math.tanh %add3A_183 : vector<64x64xf32>
    %get3A_185 = arith.constant 0 : index
    %get3A_186 = arith.constant 0 : index
    %get3A_187 = vector.load %arg10[%get3A_185, %get3A_186] : memref<64x2xf32, #tpu.memory_space<vmem>>, vector<64x2xf32>
    %dot_general3A_188 = arith.constant dense<0.000000e+00> : vector<64x2xf32>
    %dot_general3A_189 = tpu.matmul %tanh3A_184, %get3A_187, %dot_general3A_188 {dimension_numbers = #tpu.dot_dimension_numbers<[1], [0], [0], [1], [0, 0, 1, 1], [], []>, transpose_lhs_hint = false} : vector<64x64xf32>, vector<64x2xf32>, vector<64x2xf32> -> vector<64x2xf32>
    %get3A_190 = arith.constant 0 : index
    %get3A_191 = arith.constant 0 : index
    %get3A_192 = vector.load %arg14[%get3A_190, %get3A_191] : memref<1x2xf32, #tpu.memory_space<vmem>>, vector<1x1xf32>
    %get3A_193 = vector.extract %get3A_192[0, 0] : f32 from vector<1x1xf32>
    %add3A_194 = vector.broadcast %get3A_193 : f32 to vector<64x2xf32>
    %add3A_195 = arith.addf %dot_general3A_189, %add3A_194 : vector<64x2xf32>
    %reduce_sum3A_196 = arith.constant dense<0.000000e+00> : vector<2xf32>
    %reduce_sum3A_197 = vector.multi_reduction <add>, %add3A_195, %reduce_sum3A_196 [0] : vector<64x2xf32> to vector<2xf32>
    %broadcast_in_dim3A_198 = vector.shape_cast %reduce_sum3A_197 : vector<2xf32> to vector<1x2xf32>
    %swap3A = arith.constant 0 : index
    %swap3A_199 = arith.constant 0 : index
    %swap3A_200 = arith.constant 0 : index
    %swap3A_201 = vector.load %arg15[%swap3A, %swap3A_199, %swap3A_200] : memref<1x1x2xf32, #tpu.memory_space<vmem>>, vector<1x1x2xf32>
    %swap3A_202 = vector.shape_cast %swap3A_201 : vector<1x1x2xf32> to vector<1x2xf32>
    %swap3A_203 = vector.shape_cast %broadcast_in_dim3A_198 : vector<1x2xf32> to vector<1x1x2xf32>
    tpu.vector_store %arg15[%swap3A, %swap3A_199, %swap3A_200], %swap3A_203 {strides = array<i32>} : memref<1x1x2xf32, #tpu.memory_space<vmem>>, vector<1x1x2xf32>,
    %mul3A_204 = arith.constant 0.628318548 : f32
    %mul3A_205 = vector.broadcast %mul3A_204 : f32 to vector<64x128xf32>
    %mul3A_206 = arith.mulf %sqrt3A, %mul3A_205 : vector<64x128xf32>
    %cos3A = math.cos %mul3A_206 : vector<64x128xf32>
    %add3A_207 = arith.constant 1.000000e+00 : f32
    %add3A_208 = vector.broadcast %add3A_207 : f32 to vector<64x128xf32>
    %add3A_209 = arith.addf %cos3A, %add3A_208 : vector<64x128xf32>
    %mul3A_210 = arith.constant 5.000000e-01 : f32
    %mul3A_211 = vector.broadcast %mul3A_210 : f32 to vector<64x128xf32>
    %mul3A_212 = arith.mulf %mul3A_211, %add3A_209 : vector<64x128xf32>
    %lt3A_213 = arith.constant 5.000000e+00 : f32
    %lt3A_214 = vector.broadcast %lt3A_213 : f32 to vector<64x128xf32>
    %lt3A_215 = arith.cmpf olt, %sqrt3A, %lt3A_214 : vector<64x128xf32>
    %convert_element_type3A_216 = arith.extui %lt3A_215 : vector<64x128xi1> to vector<64x128xi32>
    %convert_element_type3A_217 = arith.sitofp %convert_element_type3A_216 : vector<64x128xi32> to vector<64x128xf32>
    %mul3A_218 = arith.mulf %mul3A_212, %convert_element_type3A_217 : vector<64x128xf32>
    %slice3A_219 = vector.extract_strided_slice %mul3A_218 {offsets = [0, 0], sizes = [64, 64], strides = [1, 1]} : vector<64x128xf32> to vector<64x64xf32>
    %broadcast_in_dim3A_220 = vector.shape_cast %slice3A_219 : vector<64x64xf32> to vector<64x64x1xf32>
    %slice3A_221 = vector.extract_strided_slice %mul3A_218 {offsets = [0, 64], sizes = [64, 64], strides = [1, 1]} : vector<64x128xf32> to vector<64x64xf32>
    %broadcast_in_dim3A_222 = vector.shape_cast %slice3A_221 : vector<64x64xf32> to vector<64x64x1xf32>
    %concatenate3A_223 = tpu.concatenate %broadcast_in_dim3A_220, %broadcast_in_dim3A_222 in 2 : vector<64x64x1xf32>, vector<64x64x1xf32> -> vector<64x64x2xf32>
    %jit3A_224 = arith.constant 0.000000e+00 : f32
    %broadcast_in_dim3A_225 = vector.shape_cast %eq3A : vector<64x64x1xi1> to vector<64x64x1xi1>
    %broadcast_in_dim3A_226 = vector.broadcast %broadcast_in_dim3A_225 : vector<64x64x1xi1> to vector<64x64x2xi1>
    %broadcast_in_dim3A_227 = vector.broadcast %jit3A_224 : f32 to vector<64x64x2xf32>
    %select_n3A_228 = arith.select %broadcast_in_dim3A_226, %broadcast_in_dim3A_227, %concatenate3A_223 : vector<64x64x2xi1>, vector<64x64x2xf32>
    %broadcast_in_dim3A_229 = vector.shape_cast %add3A_173 : vector<64x128xf32> to vector<1x64x128xf32>
    %broadcast_in_dim3A_230 = vector.shape_cast %broadcast_in_dim3A_229 : vector<1x64x128xf32> to vector<1x64x128xf32>
    %broadcast_in_dim3A_231 = vector.broadcast %broadcast_in_dim3A_230 : vector<1x64x128xf32> to vector<64x64x128xf32>
    %broadcast_in_dim3A_232 = vector.shape_cast %add3A_173 : vector<64x128xf32> to vector<64x1x128xf32>
    %mul3A_233 = vector.broadcast %broadcast_in_dim3A_232 : vector<64x1x128xf32> to vector<64x64x128xf32>
    %mul3A_234 = arith.mulf %mul3A_233, %broadcast_in_dim3A_231 : vector<64x64x128xf32>
    %reshape3A_235 = vector.shape_cast %mul3A_234 : vector<64x64x128xf32> to vector<4096x128xf32>
    %get3A_236 = arith.constant 0 : index
    %get3A_237 = arith.constant 0 : index
    %get3A_238 = vector.load %arg11[%get3A_236, %get3A_237] : memref<128x64xf32, #tpu.memory_space<vmem>>, vector<128x64xf32>
    %dot_general3A_239 = arith.constant dense<0.000000e+00> : vector<4096x64xf32>
    %dot_general3A_240 = tpu.matmul %reshape3A_235, %get3A_238, %dot_general3A_239 {dimension_numbers = #tpu.dot_dimension_numbers<[1], [0], [0], [1], [0, 0, 1, 1], [], []>, transpose_lhs_hint = false} : vector<4096x128xf32>, vector<128x64xf32>, vector<4096x64xf32> -> vector<4096x64xf32>
    %get3A_241 = arith.constant 0 : index
    %get3A_242 = arith.constant 0 : index
    %get3A_243 = vector.load %arg12[%get3A_241, %get3A_242] : memref<1x64xf32, #tpu.memory_space<vmem>>, vector<1x64xf32>
    %add3A_244 = vector.broadcast %get3A_243 : vector<1x64xf32> to vector<4096x64xf32>
    %add3A_245 = arith.addf %dot_general3A_240, %add3A_244 : vector<4096x64xf32>
    %tanh3A_246 = math.tanh %add3A_245 : vector<4096x64xf32>
    %get3A_247 = arith.constant 0 : index
    %get3A_248 = arith.constant 0 : index
    %get3A_249 = vector.load %arg13[%get3A_247, %get3A_248] : memref<64x2xf32, #tpu.memory_space<vmem>>, vector<64x2xf32>
    %dot_general3A_250 = arith.constant dense<0.000000e+00> : vector<4096x2xf32>
    %dot_general3A_251 = tpu.matmul %tanh3A_246, %get3A_249, %dot_general3A_250 {dimension_numbers = #tpu.dot_dimension_numbers<[1], [0], [0], [1], [0, 0, 1, 1], [], []>, transpose_lhs_hint = false} : vector<4096x64xf32>, vector<64x2xf32>, vector<4096x2xf32> -> vector<4096x2xf32>
    %get3A_252 = arith.constant 0 : index
    %get3A_253 = arith.constant 1 : index
    %get3A_254 = vector.load %arg14[%get3A_252, %get3A_253] : memref<1x2xf32, #tpu.memory_space<vmem>>, vector<1x1xf32>
    %get3A_255 = vector.extract %get3A_254[0, 0] : f32 from vector<1x1xf32>
    %add3A_256 = vector.broadcast %get3A_255 : f32 to vector<4096x2xf32>
    %add3A_257 = arith.addf %dot_general3A_251, %add3A_256 : vector<4096x2xf32>
    %reshape3A_258 = vector.shape_cast %add3A_257 : vector<4096x2xf32> to vector<64x64x2xf32>
    %mul3A_259 = arith.mulf %reshape3A_258, %select_n3A_228 : vector<64x64x2xf32>
    %reduce_sum3A_260 = arith.constant dense<0.000000e+00> : vector<64x2xf32>
    %reduce_sum3A_261 = vector.multi_reduction <add>, %mul3A_259, %reduce_sum3A_260 [1] : vector<64x64x2xf32> to vector<64x2xf32>
    %swap3A_262 = arith.constant 0 : index
    %swap3A_263 = arith.constant 0 : index
    %swap3A_264 = arith.constant 0 : index
    %swap3A_265 = vector.load %arg16[%swap3A_262, %swap3A_263, %swap3A_264] : memref<1x64x2xf32, #tpu.memory_space<vmem>>, vector<1x64x2xf32>
    %swap3A_266 = vector.shape_cast %swap3A_265 : vector<1x64x2xf32> to vector<64x2xf32>
    %swap3A_267 = vector.shape_cast %reduce_sum3A_261 : vector<64x2xf32> to vector<1x64x2xf32>
    tpu.vector_store %arg16[%swap3A_262, %swap3A_263, %swap3A_264], %swap3A_267 {strides = array<i32>} : memref<1x64x2xf32, #tpu.memory_space<vmem>>, vector<1x64x2xf32>,
    return
  }
  func.func @transform_0(%arg0: i32) -> (i32, i32, i32) {
    %c0_i32 = arith.constant 0 : i32
    %c0_i32_0 = arith.constant 0 : i32
    %c0_i32_1 = arith.constant 0 : i32
    return %arg0, %c0_i32, %c0_i32_0 : i32, i32, i32
  }
  func.func @transform_1(%arg0: i32) -> (i32, i32, i32) {
    %c0_i32 = arith.constant 0 : i32
    %c0_i32_0 = arith.constant 0 : i32
    %c0_i32_1 = arith.constant 0 : i32
    return %arg0, %c0_i32, %c0_i32_0 : i32, i32, i32
  }
  func.func @transform_2(%arg0: i32) -> (i32, i32, i32) {
    %c0_i32 = arith.constant 0 : i32
    %c0_i32_0 = arith.constant 0 : i32
    %c0_i32_1 = arith.constant 0 : i32
    return %arg0, %c0_i32, %c0_i32_0 : i32, i32, i32
  }
  func.func @transform_3(%arg0: i32) -> (i32, i32) {
    %c0_i32 = arith.constant 0 : i32
    %c0_i32_0 = arith.constant 0 : i32
    %c0_i32_1 = arith.constant 0 : i32
    return %c0_i32, %c0_i32_0 : i32, i32
  }
  func.func @transform_4(%arg0: i32) -> (i32, i32) {
    %c0_i32 = arith.constant 0 : i32
    %c0_i32_0 = arith.constant 0 : i32
    %c0_i32_1 = arith.constant 0 : i32
    return %c0_i32, %c0_i32_0 : i32, i32
  }
  func.func @transform_5(%arg0: i32) -> (i32, i32) {
    %c0_i32 = arith.constant 0 : i32
    %c0_i32_0 = arith.constant 0 : i32
    %c0_i32_1 = arith.constant 0 : i32
    return %c0_i32, %c0_i32_0 : i32, i32
  }
  func.func @transform_6(%arg0: i32) -> (i32, i32) {
    %c0_i32 = arith.constant 0 : i32
    %c0_i32_0 = arith.constant 0 : i32
    %c0_i32_1 = arith.constant 0 : i32
    return %c0_i32, %c0_i32_0 : i32, i32
  }
  func.func @transform_7(%arg0: i32) -> (i32, i32) {
    %c0_i32 = arith.constant 0 : i32
    %c0_i32_0 = arith.constant 0 : i32
    %c0_i32_1 = arith.constant 0 : i32
    return %c0_i32, %c0_i32_0 : i32, i32
  }
  func.func @transform_8(%arg0: i32) -> (i32, i32) {
    %c0_i32 = arith.constant 0 : i32
    %c0_i32_0 = arith.constant 0 : i32
    %c0_i32_1 = arith.constant 0 : i32
    return %c0_i32, %c0_i32_0 : i32, i32
  }
  func.func @transform_9(%arg0: i32) -> (i32, i32) {
    %c0_i32 = arith.constant 0 : i32
    %c0_i32_0 = arith.constant 0 : i32
    %c0_i32_1 = arith.constant 0 : i32
    return %c0_i32, %c0_i32_0 : i32, i32
  }
  func.func @transform_10(%arg0: i32) -> (i32, i32) {
    %c0_i32 = arith.constant 0 : i32
    %c0_i32_0 = arith.constant 0 : i32
    %c0_i32_1 = arith.constant 0 : i32
    return %c0_i32, %c0_i32_0 : i32, i32
  }
  func.func @transform_11(%arg0: i32) -> (i32, i32) {
    %c0_i32 = arith.constant 0 : i32
    %c0_i32_0 = arith.constant 0 : i32
    %c0_i32_1 = arith.constant 0 : i32
    return %c0_i32, %c0_i32_0 : i32, i32
  }
  func.func @transform_12(%arg0: i32) -> (i32, i32) {
    %c0_i32 = arith.constant 0 : i32
    %c0_i32_0 = arith.constant 0 : i32
    %c0_i32_1 = arith.constant 0 : i32
    return %c0_i32, %c0_i32_0 : i32, i32
  }
  func.func @transform_13(%arg0: i32) -> (i32, i32) {
    %c0_i32 = arith.constant 0 : i32
    %c0_i32_0 = arith.constant 0 : i32
    %c0_i32_1 = arith.constant 0 : i32
    return %c0_i32, %c0_i32_0 : i32, i32
  }
  func.func @transform_14(%arg0: i32) -> (i32, i32, i32) {
    %c0_i32 = arith.constant 0 : i32
    %c0_i32_0 = arith.constant 0 : i32
    %c0_i32_1 = arith.constant 0 : i32
    return %arg0, %c0_i32, %c0_i32_0 : i32, i32, i32
  }
  func.func @transform_15(%arg0: i32) -> (i32, i32, i32) {
    %c0_i32 = arith.constant 0 : i32
    %c0_i32_0 = arith.constant 0 : i32
    %c0_i32_1 = arith.constant 0 : i32
    return %arg0, %c0_i32, %c0_i32_0 : i32, i32, i32
  }
}

</mosaic_0001>

<sc_bundles>
// kernel: kernel.4.cloned.1.call-start
scs
__scs_entry_jumppad:
0x0: {  	(pc) =	sbr.rel $0x88, $3  }
0x1: {  	(tag) =	ssettag $0x0;
	lr =	simm.s32 $0x1  }
0x2: {  	[smem:$0x3F92] =	sst lr;
	_ =	strace $0xD0000000  }
0x3: {  	_ = 	snop  }
0x4: {  	_ = 	snop  }
0x5: {  	_ = 	snop  }
0x6: {  	_ = 	snop  }
0x7: {  	_ = 	snop  }
__scs_overlays_trampoline_lowered:
0x8: {  	[smem:$0x3FA1] =	sst s0  }
0x9: {  	[smem:$0x3FA2] =	sst s1  }
0xa: {  	[smem:$0x3FA3] =	sst s2  }
0xb: {  	[smem:$0x3FA4] =	sst s3  }
0xc: {  	[smem:$0x3FA5] =	sst s4  }
0xd: {  	[smem:$0x3FA6] =	sst s5  }
0xe: {  	[smem:$0x3FA7] =	sst s6  }
0xf: {  	[smem:$0x3FA8] =	sst s7  }
0x10: {  	[smem:$0x3FA9] =	sst s8  }
0x11: {  	[smem:$0x3FAA] =	sst s9;
	s0 =	simm.s32 @!p0 $0x0  }
0x12: {  	s1 =	sld [smem:$0x3F90];
	s0 =	simm.s32 @p0 $0x1  }
0x13: {  	[smem:$0x3FAB] =	sst s0;
	s0 =	simm.s32 @!p1 $0x0  }
0x14: {  	s2 =	sld [smem:$0x3F8F];
	s0 =	simm.s32 @p1 $0x1  }
0x15: {  	[smem:$0x3FAC] =	sst s0;
	s0 =	simm.s32 @!p2 $0x0  }
0x16: {  	s3 =	sld [smem:$0x3FDB];
	s0 =	simm.s32 @p2 $0x1  }
0x17: {  	s4 =	simm.s32 $0x1BF5;
	[smem:$0x3FAE] =	sst s0  }
0x18: {  	s0 =	sld [smem:$0x3F91];
	_ =	swait.ge [sflag:s4], $0x0  }
0x19: {  	s7 =	sld [smem:$0x3F92]  }
0x1a: {  	s8 =	sadd.s32 $0xFFFFE003, lr  }
0x1b: {  	s9 =	sadd.s32 $0xFFFFFEF7, lr;
	s5 =	simm.s32 $0xFFFFFFFF;
	p2 =	slt.u32 s8, $0xFFFFF086  }
0x1c: {  	p1 =	slt.u32 s9, $0xF7A;
	s5 =	simm.s32 @!p2 $0x0  }
0x1d: {  	s5 =	simm.s32 @p1 $0x1;
	p0 =	seq.s32 s7, s2  }
0x1e: {  	s7 =	smul.u32 @!p0 $0xF7A, s2;
	p2 =	seq.s32 @!p0 s5, $0x0  }
0x1f: {  	s9 =	smul.u32 $0xF7A, s1;
	s8 =	simm.s32 @!p0 $0x1BF5;
	p2 =	por !p2, p0  }
0x20: {  	[sflag:s8] =	ssyncset.s32 @!p0 $0xFFFFF086;
	s6 =	sadd.s32 @!p0 s3, s7;
	s7 =	simm.s32 @!p0 $0x108  }
0x21: {  	s3 =	sadd.s32 s3, s9;
	s6 =	sadd.s32 @!p0 $0x88, s6;
	s7 =	simm.s32 @p2 $0x1082  }
0x22: {  	[simem:s7], [sflag:s8] =	dma.local @!p0 [hbm:s6], $0xF7A  }
0x23: {  	s9 =	sor.u32 $0xD0000000, s2;
	s6 =	simm.s32 $0x108;
	_ =	swait.ge @!p0 [sflag:s8], $0x0  }
0x24: {  	s3 =	sadd.s32 $0x88, s3;
	s6 =	simm.s32 @!p1 $0x1082;
	[sflag:s4] =	ssyncset.s32 $0xFFFFF086  }
0x25: {  	[simem:s6], [sflag:s4] =	dma.local [hbm:s3], $0xF7A  }
0x26: {  	[smem:$0x3F92] =	sst s1;
	(tag) =	ssettag s2;
	_ =	strace s9  }
0x27: {  	s1 =	sld [smem:$0x3FA2]  }
0x28: {  	s2 =	sld [smem:$0x3FA3]  }
0x29: {  	s4 =	sld [smem:$0x3FA5]  }
0x2a: {  	p0 =	seq.s32 s5, $0x0;
	s5 =	sld [smem:$0x3FA6]  }
0x2b: {  	s6 =	sld [smem:$0x3FA7]  }
0x2c: {  	s7 =	sld [smem:$0x3FA8]  }
0x2d: {  	s3 =	simm.s32 $0x108;
	s8 =	sld [smem:$0x3FA9]  }
0x2e: {  	s3 =	simm.s32 @!p0 $0x1082;
	s9 =	sld [smem:$0x3FAA]  }
0x2f: {  	lr =	sadd.s32 s0, s3;
	s0 =	sld [smem:$0x3FA1]  }
0x30: {  	s3 =	sld [smem:$0x3FA4]  }
0x31: {  	[smem:$0x3FAD] =	sst s10  }
0x32: {  	s10 =	sld [smem:$0x3FAB];
	_ =	sdelay $0x3  }
0x33: {  	p0 =	seq.s32 s10, $0x1;
	s10 =	sld [smem:$0x3FAD];
	_ =	sdelay $0x3  }
0x34: {  	[smem:$0x3FAD] =	sst s10  }
0x35: {  	s10 =	sld [smem:$0x3FAC];
	_ =	sdelay $0x3  }
0x36: {  	p1 =	seq.s32 s10, $0x1;
	s10 =	sld [smem:$0x3FAD];
	_ =	sdelay $0x3  }
0x37: {  	[smem:$0x3FAD] =	sst s10  }
0x38: {  	s10 =	sld [smem:$0x3FAE]  }
0x39: {  	_ = 	snop;
	(pc) =	sbr.ind lr, $3  }
0x3a: {  	_ = 	snop  }
0x3b: {  	_ = 	snop  }
0x3c: {  	p2 =	seq.s32 s10, $0x1;
	s10 =	sld [smem:$0x3FAD]  }
0x3d: {  	_ =	shalt  }
0x3e: {  	_ =	shalt  }
0x3f: {  	_ =	shalt  }
0x40: {  	_ =	shalt  }
0x41: {  	_ =	shalt  }
0x42: {  	_ =	shalt  }
0x43: {  	_ =	shalt  }
0x44: {  	_ =	shalt  }
0x45: {  	_ =	shalt  }
0x46: {  	_ =	shalt  }
0x47: {  	_ =	shalt  }
0x48: {  	_ =	shalt  }
0x49: {  	_ =	shalt  }
0x4a: {  	_ =	shalt  }
0x4b: {  	_ =	shalt  }
0x4c: {  	_ =	shalt  }
0x4d: {  	_ =	shalt  }
0x4e: {  	_ =	shalt  }
0x4f: {  	_ =	shalt  }
0x50: {  	_ =	shalt  }
0x51: {  	_ =	shalt  }
0x52: {  	_ =	shalt  }
0x53: {  	_ =	shalt  }
0x54: {  	_ =	shalt  }
0x55: {  	_ =	shalt  }
0x56: {  	_ =	shalt  }
0x57: {  	_ =	shalt  }
0x58: {  	_ =	shalt  }
0x59: {  	_ =	shalt  }
0x5a: {  	_ =	shalt  }
0x5b: {  	_ =	shalt  }
0x5c: {  	_ =	shalt  }
0x5d: {  	_ =	shalt  }
0x5e: {  	_ =	shalt  }
0x5f: {  	_ =	shalt  }
0x60: {  	_ =	shalt  }
0x61: {  	_ =	shalt  }
0x62: {  	_ =	shalt  }
0x63: {  	_ =	shalt  }
0x64: {  	_ =	shalt  }
0x65: {  	_ =	shalt  }
0x66: {  	_ =	shalt  }
0x67: {  	_ =	shalt  }
0x68: {  	_ =	shalt  }
0x69: {  	_ =	shalt  }
0x6a: {  	_ =	shalt  }
0x6b: {  	_ =	shalt  }
0x6c: {  	_ =	shalt  }
0x6d: {  	_ =	shalt  }
0x6e: {  	_ =	shalt  }
0x6f: {  	_ =	shalt  }
0x70: {  	_ =	shalt  }
0x71: {  	_ =	shalt  }
0x72: {  	_ =	shalt  }
0x73: {  	_ =	shalt  }
0x74: {  	_ =	shalt  }
0x75: {  	_ =	shalt  }
0x76: {  	_ =	shalt  }
0x77: {  	_ =	shalt  }
0x78: {  	_ =	shalt  }
0x79: {  	_ =	shalt  }
0x7a: {  	_ =	shalt  }
0x7b: {  	_ =	shalt  }
0x7c: {  	_ =	shalt  }
0x7d: {  	_ =	shalt  }
0x7e: {  	_ =	shalt  }
0x7f: {  	_ =	shalt  }
0x80: {  	_ =	shalt  }
0x81: {  	_ =	shalt  }
0x82: {  	_ =	shalt  }
0x83: {  	_ =	shalt  }
0x84: {  	_ =	shalt  }
0x85: {  	_ =	shalt  }
0x86: {  	_ =	shalt  }
0x87: {  	_ =	shalt  }
.Lfunc_end0:
.L_simem_size_0:
called_computation_lowered:
.L_overlay_start_0:
0x88: {  	s2 =	sld [smem:$0x3FD9]  }
0x89: {  	s3 =	sld [smem:$0x3FFE];
	_ =	sdelay $0x1  }
0x8a: {  	s1 =	srdreg.scid  }
0x8b: {  	s0 =	sand.u32 $0x1, s1  }
0x8c: {  	s14 =	sshll.u32 s0, $0xA;
	s2 =	sadd.s32 s3, s2  }
0x8d: {  	s2 =	sadd.s32 s2, s14  }
0x8e: {  	[smem:$0x3FB9] =	sst s2  }
0x8f: {  	_ = 	snop  }
0x90: {  	s2 =	sld [smem:$0x3FD0];
	_ =	sdelay $0x2  }
0x91: {  	s15 =	simm.s32 $0xA;
	s4 =	simm.s32 $0x10  }
0x92: {  	[smem:s4], [sflag:s15] =	dma.local [hbm:s2], $0x1  }
0x93: {  	_ =	swait.eq [sflag:s15], $0x1  }
0x94: {  	[sflag:s15] =	ssyncset.done $0x0  }
0x95: {  	[sflag:s15] =	ssyncadd.s32 $0xFFFFFFFF  }
0x96: {  	s16 =	sld [smem:$0x11];
	(tm) =	ssettm $0x1  }
0x97: {  	s17 =	sld [smem:$0x3FFB];
	_ =	sdelay $0x3  }
0x98: {  	_ =	strace s17  }
0x99: {  	s3 =	sld [smem:$0x3FFC];
	_ =	sdelay $0x3  }
0x9a: {  	_ =	strace s3  }
0x9b: {  	s3 =	sld [smem:$0x3FFD];
	_ =	sdelay $0x3  }
0x9c: {  	_ =	strace s3  }
0x9d: {  	_ =	strace $0x8FFFFFFF  }
0x9e: {  	s18 =	sld [smem:$0x3FDB];
	_ =	sdelay $0x1  }
0x9f: {  	s19 =	simm.s32 $_scs_section_size  }
0xa0: {  	s5 =	simm.s32 $_size__tile_overlayer_lowered;
	s6 =	simm.s32 $_tile_overlayer_lowered  }
0xa1: {  	s22 =	simm.s32 $0x1BFF;
	s21 =	sshll.u32 s6, $0x1;
	s3 =	sadd.s32 s19, s18  }
0xa2: {  	s7 =	simm.s32 $0x0;
	s20 =	sshll.u32 s5, $0x1;
	s5 =	sadd.s32 s21, s3  }
0xa3: {  	[timem:s7], [sflag:s22] =	dma.local [hbm:s5], s20  }
0xa4: {  	_ =	swait.ge [sflag:s22], s20  }
0xa5: {  	s4 =	ssub.s32 $0x0, s20;
	[sflag:s22] =	ssyncset.done $0x0  }
0xa6: {  	[sflag:s22] =	ssyncadd.s32 s4;
	_ =	sdelay $0x1  }
0xa7: {  	s23 =	simm.s32 $0x1B8B  }
0xa8: {  	_ =	swait.ge [sflag:s23], $0x1  }
0xa9: {  	[sflag:s23] =	ssyncset.done $0x0  }
0xaa: {  	s25 =	simm.s32 $0x1B8E;
	s24 =	sld [smem:$0x3FFE];
	[sflag:s23] =	ssyncadd.s32 $0xFFFFFFFF  }
0xab: {  	s26 =	simm.s32 $execute0_lowered;
	[smem:$0x3FD2] =	sst s25  }
0xac: {  	s5 =	sshll.u32 s26, $0x1;
	_ =	strace $0x80000046;
	[dreg:$0x1] =	wrdreg $0xFFFFFFFF  }
0xad: {  	s28 =	simm.s32 $_size_execute0_lowered;
	s3 =	sadd.s32 s3, s5;
	[dreg:$0x0] =	wrdreg $0x0  }
0xae: {  	s5 =	sshll.u32 s28, $0x1;
	[dreg:$0x2] =	wrdreg s3  }
0xaf: {  	[dreg:$0x3] =	wrdreg s5  }
0xb0: {  	[dreg:$0x4] =	wrdreg $0xC0  }
0xb1: {  	_ =	task [dreg:s7], $0x5FFFF  }
0xb2: {  	[dreg:$0x1] =	wrdreg $0xFFFFFFFF  }
0xb3: {  	[dreg:$0x0] =	wrdreg $0x60  }
0xb4: {  	[dreg:$0x2] =	wrdreg s16  }
0xb5: {  	[dreg:$0x3] =	wrdreg s24  }
0xb6: {  	[dreg:$0x4] =	wrdreg $0x9  }
0xb7: {  	_ =	task.clear_ibuf [dreg:s7], $0x5FFFF;
	_ =	strace $0x90000046  }
0xb8: {  	s29 =	simm.s32 $0x9;
	_ =	strace $0x8000004D  }
0xb9: {  	_ =	swait.ge [sflag:s29], $0x1  }
0xba: {  	[sflag:s29] =	ssyncadd.s32 $0xFFFFFFFF  }
0xbb: {  	_ =	strace $0x9000004D  }
0xbc: {  	_ =	sfence  }
0xbd: {  	s30 =	sld [smem:$0x0];
	_ =	sdelay $0x2  }
0xbe: {  	s31 =	sshll.u32 s1, $0xD;
	s1 =	sshrl.u32 s1, $0x2  }
0xbf: {  	s3 =	sand.u32 $0x4000, s31;
	s1 =	sadd.s32 s1, s30  }
0xc0: {  	s0 =	sor.u32 s3, s0;
	s1 =	sshll.u32 s1, $0x11  }
0xc1: {  	s0 =	sor.u32 s1, s0  }
0xc2: {  	s0 =	sadd.s32 $0x8F2B, s0  }
0xc3: {  	[sflag:s0] =	ssyncadd.remote.s32 $0x1  }
0xc4: {  	_ =	sfence.sel $0xFFFF  }
0xc5: {  	[dreg:$0x0] =	wrdreg $0xFFFFFFFF;
	(pc) =	sbr.abs _section_cstart, $3  }
0xc6: {  	[dreg:$0x1] =	wrdreg $0xFFFFFFFF  }
0xc7: {  	_ =	task.clear_ibuf [dreg:s7], $0x2FFFF;
	_ =	strace $0x9FFFFFFF  }
0xc8: {  	(tm) =	ssettm $0x7FFFFFFF  }
0xc9: {  	_ =	shalt  }
tec
execute0_lowered:
.L_overlay_start_1:
0x0: {  	(tag) =	ssettag $0x1  }
0x1: {  	s2 =	rddreg [dreg:$0x0]  }
0x2: {  	s9 =	rddreg [dreg:$0x1];
	s3 =	simm.s32 $0x0;
	s1 =	stileid.u32  }
0x3: {  	[smem:$0x7FF] =	sst s3;
	s4 =	sshll.u32 s1, $0x4  }
0x4: {  	s0 =	rddreg [dreg:$0x2];
	_ =	strace $0x80000047;
	s4 =	sadd.s32 s4, s9  }
0x5: {  	s4 =	sadd.s32 $0x2200, s4;
	_ =	strace $0x80000048  }
0x6: {  	[tilespmem:s3], [sflag:$0x1] =	stream.linear.gather [hbm4b:s4+s3], $0x80, $0x200038;
	[tilespmem:$0x8100] =	vst v63  }
0x7: {  	_ =	strace $0x90000048  }
0x8: {  	s5 =	simm.s32 $0x1;
	_ =	strace $0x80000049  }
0x9: {  	_ =	swait.ge [sflag:s5], $0x80  }
0xa: {  	[sflag:s5] =	ssyncset.done $0x0  }
0xb: {  	s6 =	simm.s32 $0x80;
	s7 =	simm.s32 $0x100;
	[sflag:s5] =	ssyncadd.s32 $0xFFFFFF80  }
0xc: {  	s8 =	simm.s32 $0x5;
	s11 =	srdreg.scid;
	_ =	strace $0x90000049  }
0xd: {  	s10 =	sshll.u32 s1, $0xB;
	s30 =	sand.u32 $0x1, s11;
	_ =	strace $0x8000004A  }
0xe: {  	[tilespmem:s7], [sflag:$0x5] =	stream.indirect.gather [hbm4b:s2+s6], $0x80, s3, s6, $0x2000b8;
	[tilespmem:$0x8100] =	vst v63  }
0xf: {  	s9 =	sadd.s32 s10, s9;
	s10 =	ssub.s32 $0x2, s30;
	_ =	swait.ge [sflag:s8], $0x4000  }
0x10: {  	s31 =	sshrl.u32 s10, $0x1;
	[sflag:s8] =	ssyncset.done $0x0  }
0x11: {  	s11 =	ssub.s32 s10, s31;
	[sflag:s8] =	ssyncadd.s32 $0xFFFFC000  }
0x12: {  	s11 =	smax.u32 s11, $0x1;
	_ =	strace $0x9000004A  }
0x13: {  	s9 =	sadd.s32 $0x2400, s9;
	p0 =	sne.s32 s11, $0x1;
	_ =	strace $0x8000004B  }
0x14: {  	[hbm4b:s9+s3] =	stream.linear.scatter [tilespmem:s7], [sflag:$0x3], $0x4000, $0x200038;
	[tilespmem:$0x8100] =	vst v63  }
.Ltmp0:
0x15: {  	_ =	strace $0x9000004B;
	(pc) =	sbr.rel @!p0 .LBB2_2-.Ltmp0, $4  }
0x16: {  	s10 =	simm.s32 $0x3;
	_ =	strace $0x8000004C  }
0x17: {  	_ =	swait.ge [sflag:s10], $0x4000  }
0x18: {  	[sflag:s10] =	ssyncset.done $0x0  }
0x19: {  	s11 =	sadd.s32 $0xFFFFFFFF, s11;
	[sflag:s10] =	ssyncadd.s32 $0xFFFFC000  }
.LBB2_1:
0x1a: {  	p0 =	sne.s32 s11, $0x1;
	s11 =	sadd.s32 $0xFFFFFFFF, s11;
	_ =	strace $0x9000004C  }
0x1b: {  	_ =	strace $0x80000048  }
0x1c: {  	[tilespmem:s3], [sflag:$0x1] =	stream.linear.gather [hbm4b:s4+s3], $0x80, $0x200038;
	[tilespmem:$0x8100] =	vst v63  }
0x1d: {  	_ =	strace $0x90000048  }
0x1e: {  	_ =	strace $0x80000049  }
0x1f: {  	_ =	swait.ge [sflag:s5], $0x80  }
0x20: {  	[sflag:s5] =	ssyncset.done $0x0  }
0x21: {  	[sflag:s5] =	ssyncadd.s32 $0xFFFFFF80  }
0x22: {  	_ =	strace $0x90000049  }
0x23: {  	_ =	strace $0x8000004A  }
0x24: {  	[tilespmem:s7], [sflag:$0x5] =	stream.indirect.gather [hbm4b:s2+s6], $0x80, s3, s6, $0x2000b8;
	[tilespmem:$0x8100] =	vst v63  }
0x25: {  	_ =	swait.ge [sflag:s8], $0x4000  }
0x26: {  	[sflag:s8] =	ssyncset.done $0x0  }
0x27: {  	[sflag:s8] =	ssyncadd.s32 $0xFFFFC000  }
0x28: {  	_ =	strace $0x9000004A  }
0x29: {  	_ =	strace $0x8000004B  }
0x2a: {  	[hbm4b:s9+s3] =	stream.linear.scatter [tilespmem:s7], [sflag:$0x3], $0x4000, $0x200038;
	[tilespmem:$0x8100] =	vst v63  }
.Ltmp1:
0x2b: {  	_ =	strace $0x9000004B;
	(pc) =	sbr.rel @p0 .LBB2_1-.Ltmp1, $4  }
0x2c: {  	_ =	strace $0x8000004C  }
0x2d: {  	_ =	swait.ge [sflag:s10], $0x4000  }
0x2e: {  	[sflag:s10] =	ssyncset.done $0x0  }
0x2f: {  	[sflag:s10] =	ssyncadd.s32 $0xFFFFC000  }
.LBB2_2:
0x30: {  	_ =	strace $0x9000004C  }
0x31: {  	_ =	sfence.sel $0x180000  }
0x32: {  	[bflag:$0x0] =	sbarrier.arrive $0xFFFF  }
0x33: {  	p0 =	sne.s32 s1, $0x0;
	_ =	strace $0x90000047  }
0x34: {  	s0 =	sadd.s32 @!p0 $0x100000, s0;
	[bflag:$0x2] =	sbarrier.arrive $0xFFFF  }
0x35: {  	[sflag:s0] =	ssyncadd.tile.s32 @!p0 $0x1;
	_ =	shalt  }
.Lfunc_end2:
_tile_overlayer_lowered:
.L_overlay_start_2:
0x36: {  	(tag) =	ssettag $0x2  }
0x37: {  	s0 =	rddreg [dreg:$0x0];
	s2 =	stileid.u32  }
0x38: {  	s1 =	rddreg [dreg:$0x1];
	p0 =	sne.s32 s2, $0x0  }
0x39: {  	s3 =	rddreg [dreg:$0x2];
	[bflag:$0x3] =	sbarrier.arrive $0xFFFF;
	s2 =	simm.s32 @!p0 $0x1C01  }
0x3a: {  	[timem:s3], [sflag:s2] =	dma.local @!p0 [hbm:s0], s1  }
0x3b: {  	s0 =	simm.s32 @!p0 $0x1  }
0x3c: {  	_ =	swait.ge @!p0 [sflag:s0], s1  }
0x3d: {  	s1 =	ssub.s32 @!p0 $0x0, s1;
	[sflag:s0] =	ssyncset.done @!p0 $0x0  }
0x3e: {  	[sflag:s0] =	ssyncadd.s32 @!p0 s1  }
0x3f: {  	[bflag:$0x3] =	sbarrier.arrive $0xFFFF  }
0x40: {  	_ =	shalt  }

</sc_bundles>
